<compile_context>
chip_gen: v7x
topology: tpu7x:2x2x1
jax: 0.10.2.dev20260603
libtpu: 0.0.44.dev20260713+nightly
codegen_flags: <defaults>
</compile_context>

<pallas_src>
import jax
import jax.numpy as jnp
from jax import lax
from jax.experimental import pallas as pl
from jax.experimental.pallas import tpu as pltpu
from jax.experimental.pallas import tpu_sc as plsc

_BATCH = 16384
_HIST = 200
_NC = 2
_NS = 16
_NW = _NC * _NS
_COLS_W = _BATCH // _NW
_CCHUNK = 128
_NCC = _COLS_W // _CCHUNK
_L = 16
_TAB = 200


def _body(pos_hbm, tab_hbm, out_hbm, tab0_v, tab_v, idx_v, out_v, isem, osem):
    wid = lax.axis_index("s") * _NC + lax.axis_index("c")
    col0 = wid * _COLS_W
    lane = lax.iota(jnp.int32, _L)

    def col_slice(ci):
        return pl.ds(col0 + ci * _CCHUNK, _CCHUNK)

    in_flight = [None] * _NCC
    out_flight = [None] * _NCC
    in_flight[0] = pltpu.async_copy(
        pos_hbm.at[:, col_slice(0)], idx_v.at[0], isem.at[0]
    )
    pltpu.sync_copy(tab_hbm, tab0_v)

    @plsc.parallel_loop(0, _TAB)
    def _build(g):
        tab_v[pl.ds(g * _L, _L)] = plsc.load_gather(
            tab0_v, [jnp.full((_L,), g, jnp.int32)]
        )
    for ci in range(_NCC):
        b = ci % 2
        if ci + 1 < _NCC:
            in_flight[ci + 1] = pltpu.async_copy(
                pos_hbm.at[:, col_slice(ci + 1)], idx_v.at[1 - b], isem.at[1 - b]
            )
        in_flight[ci].wait()
        if ci >= 2:
            out_flight[ci - 2].wait()

        @plsc.parallel_loop(0, _HIST, unroll=1)
        def _gather(r):
            for j in range(_CCHUNK // _L):
                s = pl.ds(j * _L, _L)
                addr = idx_v[b, r, s] * _L + lane
                out_v[b, r, s] = plsc.load_gather(tab_v, [addr])

        out_flight[ci] = pltpu.async_copy(
            out_v.at[b], out_hbm.at[:, col_slice(ci)], osem.at[b]
        )
    out_flight[_NCC - 2].wait()
    out_flight[_NCC - 1].wait()


def kernel(positions, position_bias):
    pos_t = positions.astype(jnp.int32).T
    tab = position_bias.reshape(-1)
    mesh = plsc.VectorSubcoreMesh(core_axis_name="c", subcore_axis_name="s")
    out_t = pl.kernel(
        _body,
        out_type=jax.ShapeDtypeStruct((_HIST, _BATCH), jnp.float32),
        mesh=mesh,
        compiler_params=pltpu.CompilerParams(
            needs_layout_passes=False, use_tc_tiling_on_sc=True,
        ),
        scratch_types=[
            pltpu.VMEM((_TAB,), jnp.float32),
            pltpu.VMEM((_TAB * _L,), jnp.float32),
            pltpu.VMEM((2, _HIST, _CCHUNK), jnp.int32),
            pltpu.VMEM((2, _HIST, _CCHUNK), jnp.float32),
            pltpu.SemaphoreType.DMA((2,)),
            pltpu.SemaphoreType.DMA((2,)),
        ],
    )(pos_t, tab)
    return out_t.T

# --- scband reference (transcript-rebuilt; emitter-appended) ---
"""Pipeline reference for scband-position-7224134992366 (READ-ONLY COPY).

The authoritative reference and input builder live on the scoring server;
editing this copy changes nothing except your own understanding.
"""

import jax, jax.numpy as jnp
import numpy as np

N_POSITION = 200
BATCH = 16384
HIST = 200

def setup_inputs(seed: int = 0) -> dict:
    key = jax.random.key(seed)
    k1, k2 = jax.random.split(key)
    positions = jax.random.randint(k1, (BATCH, HIST), 0, N_POSITION, dtype=jnp.int64 if jax.config.jax_enable_x64 else jnp.int32)
    position_bias = jax.random.normal(k2, (N_POSITION, 1), dtype=jnp.float32)
    return {"positions": positions, "position_bias": position_bias}

def reference(positions, position_bias):
    # nn.Embedding lookup followed by squeeze(dim=-1)
    out = jnp.take(position_bias, positions, axis=0)  # [B, L, 1]
    return jnp.squeeze(out, axis=-1)  # [B, L]

if __name__ == "__main__":
    import jax
    _d = setup_inputs()
    print(jax.jit(kernel)(*tuple(_d.values())))

</pallas_src>

<mosaic_0001>
#map = affine_map<(d0, d1) -> (0, 0)>
#map1 = affine_map<(d0, d1) -> (0)>
module attributes {stable_mosaic.version = 14 : i64} {
  func.func @_body(%arg0: i32, %arg1: i32, %arg2: memref<200x16384xi32, #tpu.memory_space<hbm>>, %arg3: memref<200xf32, #tpu.memory_space<hbm>>, %arg4: memref<200x16384xf32, #tpu.memory_space<hbm>>, %arg5: memref<200xf32, #tpu.memory_space<vmem>>, %arg6: memref<3200xf32, #tpu.memory_space<vmem>>, %arg7: memref<2x200x128xi32, #tpu.memory_space<vmem>>, %arg8: memref<2x200x128xf32, #tpu.memory_space<vmem>>, %arg9: memref<2x!tpu.dma_semaphore, #tpu.memory_space<semaphore_mem>>, %arg10: memref<2x!tpu.dma_semaphore, #tpu.memory_space<semaphore_mem>>) attributes {dimension_semantics = [#tpu.dimension_semantics<core_parallel>, #tpu.dimension_semantics<subcore_parallel>], iteration_bounds = array<i64: 2, 16>, scalar_prefetch = 0 : i64, scratch_operands = 6 : i64, tpu.core_type = #tpu.core_type<sc_vector_subcore>, window_params = [{transform_indices = #map}, {transform_indices = #map1}, {transform_indices = #map}]} {
    %mul3A = arith.constant 2 : i32
    %mul3A_0 = arith.muli %arg1, %mul3A : i32
    %add3A = arith.addi %mul3A_0, %arg0 : i32
    %mul3A_1 = arith.constant 512 : i32
    %mul3A_2 = arith.muli %add3A, %mul3A_1 : i32
    %iota3A = tpu.iota {dimensions = array<i32: 0>} : vector<16xi32>
    %add3A_3 = arith.constant 0 : i32
    %add3A_4 = arith.addi %mul3A_2, %add3A_3 : i32
    %dma_start3A = arith.constant 0 : i32
    %dma_start3A_5 = arith.constant 0 : i32
    %dma_start3A_6 = arith.constant 0 : i32
    %dma_start3A_7 = arith.constant 0 : i32
    %dma_start3A_8 = tpu.memref_slice %arg7[%dma_start3A, %dma_start3A_6, %dma_start3A_7] : memref<2x200x128xi32, #tpu.memory_space<vmem>> -> memref<1x200x128xi32, #tpu.memory_space<vmem>>
    %dma_start3A_9 = tpu.memref_squeeze %dma_start3A_8 : memref<1x200x128xi32, #tpu.memory_space<vmem>> -> memref<200x128xi32, #tpu.memory_space<vmem>>
    %dma_start3A_10 = arith.constant 0 : i32
    %dma_start3A_11 = tpu.memref_slice %arg2[%dma_start3A_10, %add3A_4] : memref<200x16384xi32, #tpu.memory_space<hbm>> -> memref<200x128xi32, #tpu.memory_space<hbm>>
    %dma_start3A_12 = tpu.memref_slice %arg9[%dma_start3A_5] : memref<2x!tpu.dma_semaphore, #tpu.memory_space<semaphore_mem>> -> memref<1x!tpu.dma_semaphore, #tpu.memory_space<semaphore_mem>>
    %dma_start3A_13 = tpu.memref_squeeze %dma_start3A_12 : memref<1x!tpu.dma_semaphore, #tpu.memory_space<semaphore_mem>> -> memref<!tpu.dma_semaphore, #tpu.memory_space<semaphore_mem>>
    %dma_start3A_14 = arith.constant 0 : i32
    %dma_start3A_15 = arith.constant 0 : i32
    %dma_start3A_16 = tpu.memref_slice %arg7[%dma_start3A, %dma_start3A_14, %dma_start3A_15] : memref<2x200x128xi32, #tpu.memory_space<vmem>> -> memref<1x200x128xi32, #tpu.memory_space<vmem>>
    %dma_start3A_17 = tpu.memref_squeeze %dma_start3A_16 : memref<1x200x128xi32, #tpu.memory_space<vmem>> -> memref<200x128xi32, #tpu.memory_space<vmem>>
    %dma_start3A_18 = arith.constant 0 : i32
    %dma_start3A_19 = tpu.memref_slice %arg2[%dma_start3A_18, %add3A_4] : memref<200x16384xi32, #tpu.memory_space<hbm>> -> memref<200x128xi32, #tpu.memory_space<hbm>>
    tpu.enqueue_dma source(%dma_start3A_19 : memref<200x128xi32, #tpu.memory_space<hbm>>) target(%dma_start3A_17 : memref<200x128xi32, #tpu.memory_space<vmem>>) target_semaphore(%dma_start3A_13 : memref<!tpu.dma_semaphore, #tpu.memory_space<semaphore_mem>>)
    "tpu.region"() ({
      %run_scoped3A = tpu.sem_alloc : memref<!tpu.dma_semaphore, #tpu.memory_space<semaphore_mem>>
      tpu.enqueue_dma source(%arg3 : memref<200xf32, #tpu.memory_space<hbm>>) target(%arg5 : memref<200xf32, #tpu.memory_space<vmem>>) target_semaphore(%run_scoped3A : memref<!tpu.dma_semaphore, #tpu.memory_space<semaphore_mem>>)
      tpu.wait_dma2 semaphore(%run_scoped3A : memref<!tpu.dma_semaphore, #tpu.memory_space<semaphore_mem>>) src(%arg3 : memref<200xf32, #tpu.memory_space<hbm>>) dst(%arg5 : memref<200xf32, #tpu.memory_space<vmem>>)
      tpu.yield
    }) : () -> ()
    %parallel_loop3A = arith.constant 0 : i32
    %parallel_loop3A_20 = arith.constant 200 : i32
    %parallel_loop3A_21 = arith.constant 1 : i32
    scf.for %parallel_loop3A_287 = %parallel_loop3A to %parallel_loop3A_20 step %parallel_loop3A_21  : i32 {
      %parallel_loop3A_288 = vector.broadcast %parallel_loop3A_287 : i32 to vector<16xi32>
      %parallel_loop3A_289 = tpu.vector_load_idx %arg5[%parallel_loop3A_288] : memref<200xf32, #tpu.memory_space<vmem>>[vector<16xi32>], vector<16xf32>,
      %parallel_loop3A_290 = arith.constant 16 : i32
      %parallel_loop3A_291 = arith.muli %parallel_loop3A_287, %parallel_loop3A_290 : i32
      %parallel_loop3A_292 = arith.index_cast %parallel_loop3A_291 : i32 to index
      %parallel_loop3A_293 = tpu.vector_load %arg6[%parallel_loop3A_292] {strides = array<i32>} : memref<3200xf32, #tpu.memory_space<vmem>>, vector<16xf32>,
      tpu.vector_store %arg6[%parallel_loop3A_292], %parallel_loop3A_289 {strides = array<i32>} : memref<3200xf32, #tpu.memory_space<vmem>>, vector<16xf32>,
    } {sc.loop_unroll_factor = 1 : i64, sc.parallel_access}
    %add3A_22 = arith.constant 128 : i32
    %add3A_23 = arith.addi %mul3A_2, %add3A_22 : i32
    %dma_start3A_24 = arith.constant 1 : i32
    %dma_start3A_25 = arith.constant 1 : i32
    %dma_start3A_26 = arith.constant 0 : i32
    %dma_start3A_27 = arith.constant 0 : i32
    %dma_start3A_28 = tpu.memref_slice %arg7[%dma_start3A_24, %dma_start3A_26, %dma_start3A_27] : memref<2x200x128xi32, #tpu.memory_space<vmem>> -> memref<1x200x128xi32, #tpu.memory_space<vmem>>
    %dma_start3A_29 = tpu.memref_squeeze %dma_start3A_28 : memref<1x200x128xi32, #tpu.memory_space<vmem>> -> memref<200x128xi32, #tpu.memory_space<vmem>>
    %dma_start3A_30 = arith.constant 0 : i32
    %dma_start3A_31 = tpu.memref_slice %arg2[%dma_start3A_30, %add3A_23] : memref<200x16384xi32, #tpu.memory_space<hbm>> -> memref<200x128xi32, #tpu.memory_space<hbm>>
    %dma_start3A_32 = tpu.memref_slice %arg9[%dma_start3A_25] : memref<2x!tpu.dma_semaphore, #tpu.memory_space<semaphore_mem>> -> memref<1x!tpu.dma_semaphore, #tpu.memory_space<semaphore_mem>>
    %dma_start3A_33 = tpu.memref_squeeze %dma_start3A_32 : memref<1x!tpu.dma_semaphore, #tpu.memory_space<semaphore_mem>> -> memref<!tpu.dma_semaphore, #tpu.memory_space<semaphore_mem>>
    %dma_start3A_34 = arith.constant 0 : i32
    %dma_start3A_35 = arith.constant 0 : i32
    %dma_start3A_36 = tpu.memref_slice %arg7[%dma_start3A_24, %dma_start3A_34, %dma_start3A_35] : memref<2x200x128xi32, #tpu.memory_space<vmem>> -> memref<1x200x128xi32, #tpu.memory_space<vmem>>
    %dma_start3A_37 = tpu.memref_squeeze %dma_start3A_36 : memref<1x200x128xi32, #tpu.memory_space<vmem>> -> memref<200x128xi32, #tpu.memory_space<vmem>>
    %dma_start3A_38 = arith.constant 0 : i32
    %dma_start3A_39 = tpu.memref_slice %arg2[%dma_start3A_38, %add3A_23] : memref<200x16384xi32, #tpu.memory_space<hbm>> -> memref<200x128xi32, #tpu.memory_space<hbm>>
    tpu.enqueue_dma source(%dma_start3A_39 : memref<200x128xi32, #tpu.memory_space<hbm>>) target(%dma_start3A_37 : memref<200x128xi32, #tpu.memory_space<vmem>>) target_semaphore(%dma_start3A_33 : memref<!tpu.dma_semaphore, #tpu.memory_space<semaphore_mem>>)
    %dma_wait3A = arith.constant 0 : i32
    %dma_wait3A_40 = arith.constant 0 : i32
    %dma_wait3A_41 = arith.constant 0 : i32
    %dma_wait3A_42 = arith.constant 0 : i32
    %dma_wait3A_43 = tpu.memref_slice %arg7[%dma_wait3A, %dma_wait3A_41, %dma_wait3A_42] : memref<2x200x128xi32, #tpu.memory_space<vmem>> -> memref<1x200x128xi32, #tpu.memory_space<vmem>>
    %dma_wait3A_44 = tpu.memref_squeeze %dma_wait3A_43 : memref<1x200x128xi32, #tpu.memory_space<vmem>> -> memref<200x128xi32, #tpu.memory_space<vmem>>
    %dma_wait3A_45 = arith.constant 0 : i32
    %dma_wait3A_46 = tpu.memref_slice %arg2[%dma_wait3A_45, %add3A_4] : memref<200x16384xi32, #tpu.memory_space<hbm>> -> memref<200x128xi32, #tpu.memory_space<hbm>>
    %dma_wait3A_47 = tpu.memref_slice %arg9[%dma_wait3A_40] : memref<2x!tpu.dma_semaphore, #tpu.memory_space<semaphore_mem>> -> memref<1x!tpu.dma_semaphore, #tpu.memory_space<semaphore_mem>>
    %dma_wait3A_48 = tpu.memref_squeeze %dma_wait3A_47 : memref<1x!tpu.dma_semaphore, #tpu.memory_space<semaphore_mem>> -> memref<!tpu.dma_semaphore, #tpu.memory_space<semaphore_mem>>
    %dma_wait3A_49 = arith.constant 0 : i32
    %dma_wait3A_50 = arith.constant 0 : i32
    %dma_wait3A_51 = tpu.memref_slice %arg7[%dma_wait3A, %dma_wait3A_49, %dma_wait3A_50] : memref<2x200x128xi32, #tpu.memory_space<vmem>> -> memref<1x200x128xi32, #tpu.memory_space<vmem>>
    %dma_wait3A_52 = tpu.memref_squeeze %dma_wait3A_51 : memref<1x200x128xi32, #tpu.memory_space<vmem>> -> memref<200x128xi32, #tpu.memory_space<vmem>>
    %dma_wait3A_53 = arith.constant 0 : i32
    %dma_wait3A_54 = tpu.memref_slice %arg2[%dma_wait3A_53, %add3A_4] : memref<200x16384xi32, #tpu.memory_space<hbm>> -> memref<200x128xi32, #tpu.memory_space<hbm>>
    tpu.wait_dma2 semaphore(%dma_wait3A_48 : memref<!tpu.dma_semaphore, #tpu.memory_space<semaphore_mem>>) src(%dma_wait3A_54 : memref<200x128xi32, #tpu.memory_space<hbm>>) dst(%dma_wait3A_52 : memref<200x128xi32, #tpu.memory_space<vmem>>)
    %parallel_loop3A_55 = arith.constant 0 : i32
    %parallel_loop3A_56 = arith.constant 200 : i32
    %parallel_loop3A_57 = arith.constant 1 : i32
    scf.for %parallel_loop3A_287 = %parallel_loop3A_55 to %parallel_loop3A_56 step %parallel_loop3A_57  : i32 {
      %parallel_loop3A_288 = arith.constant 0 : i32
      %parallel_loop3A_289 = arith.index_cast %parallel_loop3A_288 : i32 to index
      %parallel_loop3A_290 = arith.index_cast %parallel_loop3A_287 : i32 to index
      %parallel_loop3A_291 = arith.constant 0 : index
      %parallel_loop3A_292 = tpu.vector_load %arg7[%parallel_loop3A_289, %parallel_loop3A_290, %parallel_loop3A_291] {strides = array<i32>} : memref<2x200x128xi32, #tpu.memory_space<vmem>>, vector<16xi32>,
      %parallel_loop3A_293 = arith.constant 16 : i32
      %parallel_loop3A_294 = vector.broadcast %parallel_loop3A_293 : i32 to vector<16xi32>
      %parallel_loop3A_295 = arith.muli %parallel_loop3A_292, %parallel_loop3A_294 : vector<16xi32>
      %parallel_loop3A_296 = arith.addi %parallel_loop3A_295, %iota3A : vector<16xi32>
      %parallel_loop3A_297 = tpu.vector_load_idx %arg6[%parallel_loop3A_296] : memref<3200xf32, #tpu.memory_space<vmem>>[vector<16xi32>], vector<16xf32>,
      %parallel_loop3A_298 = arith.constant 0 : i32
      %parallel_loop3A_299 = arith.index_cast %parallel_loop3A_298 : i32 to index
      %parallel_loop3A_300 = arith.index_cast %parallel_loop3A_287 : i32 to index
      %parallel_loop3A_301 = arith.constant 0 : index
      %parallel_loop3A_302 = tpu.vector_load %arg8[%parallel_loop3A_299, %parallel_loop3A_300, %parallel_loop3A_301] {strides = array<i32>} : memref<2x200x128xf32, #tpu.memory_space<vmem>>, vector<16xf32>,
      tpu.vector_store %arg8[%parallel_loop3A_299, %parallel_loop3A_300, %parallel_loop3A_301], %parallel_loop3A_297 {strides = array<i32>} : memref<2x200x128xf32, #tpu.memory_space<vmem>>, vector<16xf32>,
      %parallel_loop3A_303 = arith.constant 0 : i32
      %parallel_loop3A_304 = arith.index_cast %parallel_loop3A_303 : i32 to index
      %parallel_loop3A_305 = arith.index_cast %parallel_loop3A_287 : i32 to index
      %parallel_loop3A_306 = arith.constant 16 : index
      %parallel_loop3A_307 = tpu.vector_load %arg7[%parallel_loop3A_304, %parallel_loop3A_305, %parallel_loop3A_306] {strides = array<i32>} : memref<2x200x128xi32, #tpu.memory_space<vmem>>, vector<16xi32>,
      %parallel_loop3A_308 = arith.constant 16 : i32
      %parallel_loop3A_309 = vector.broadcast %parallel_loop3A_308 : i32 to vector<16xi32>
      %parallel_loop3A_310 = arith.muli %parallel_loop3A_307, %parallel_loop3A_309 : vector<16xi32>
      %parallel_loop3A_311 = arith.addi %parallel_loop3A_310, %iota3A : vector<16xi32>
      %parallel_loop3A_312 = tpu.vector_load_idx %arg6[%parallel_loop3A_311] : memref<3200xf32, #tpu.memory_space<vmem>>[vector<16xi32>], vector<16xf32>,
      %parallel_loop3A_313 = arith.constant 0 : i32
      %parallel_loop3A_314 = arith.index_cast %parallel_loop3A_313 : i32 to index
      %parallel_loop3A_315 = arith.index_cast %parallel_loop3A_287 : i32 to index
      %parallel_loop3A_316 = arith.constant 16 : index
      %parallel_loop3A_317 = tpu.vector_load %arg8[%parallel_loop3A_314, %parallel_loop3A_315, %parallel_loop3A_316] {strides = array<i32>} : memref<2x200x128xf32, #tpu.memory_space<vmem>>, vector<16xf32>,
      tpu.vector_store %arg8[%parallel_loop3A_314, %parallel_loop3A_315, %parallel_loop3A_316], %parallel_loop3A_312 {strides = array<i32>} : memref<2x200x128xf32, #tpu.memory_space<vmem>>, vector<16xf32>,
      %parallel_loop3A_318 = arith.constant 0 : i32
      %parallel_loop3A_319 = arith.index_cast %parallel_loop3A_318 : i32 to index
      %parallel_loop3A_320 = arith.index_cast %parallel_loop3A_287 : i32 to index
      %parallel_loop3A_321 = arith.constant 32 : index
      %parallel_loop3A_322 = tpu.vector_load %arg7[%parallel_loop3A_319, %parallel_loop3A_320, %parallel_loop3A_321] {strides = array<i32>} : memref<2x200x128xi32, #tpu.memory_space<vmem>>, vector<16xi32>,
      %parallel_loop3A_323 = arith.constant 16 : i32
      %parallel_loop3A_324 = vector.broadcast %parallel_loop3A_323 : i32 to vector<16xi32>
      %parallel_loop3A_325 = arith.muli %parallel_loop3A_322, %parallel_loop3A_324 : vector<16xi32>
      %parallel_loop3A_326 = arith.addi %parallel_loop3A_325, %iota3A : vector<16xi32>
      %parallel_loop3A_327 = tpu.vector_load_idx %arg6[%parallel_loop3A_326] : memref<3200xf32, #tpu.memory_space<vmem>>[vector<16xi32>], vector<16xf32>,
      %parallel_loop3A_328 = arith.constant 0 : i32
      %parallel_loop3A_329 = arith.index_cast %parallel_loop3A_328 : i32 to index
      %parallel_loop3A_330 = arith.index_cast %parallel_loop3A_287 : i32 to index
      %parallel_loop3A_331 = arith.constant 32 : index
      %parallel_loop3A_332 = tpu.vector_load %arg8[%parallel_loop3A_329, %parallel_loop3A_330, %parallel_loop3A_331] {strides = array<i32>} : memref<2x200x128xf32, #tpu.memory_space<vmem>>, vector<16xf32>,
      tpu.vector_store %arg8[%parallel_loop3A_329, %parallel_loop3A_330, %parallel_loop3A_331], %parallel_loop3A_327 {strides = array<i32>} : memref<2x200x128xf32, #tpu.memory_space<vmem>>, vector<16xf32>,
      %parallel_loop3A_333 = arith.constant 0 : i32
      %parallel_loop3A_334 = arith.index_cast %parallel_loop3A_333 : i32 to index
      %parallel_loop3A_335 = arith.index_cast %parallel_loop3A_287 : i32 to index
      %parallel_loop3A_336 = arith.constant 48 : index
      %parallel_loop3A_337 = tpu.vector_load %arg7[%parallel_loop3A_334, %parallel_loop3A_335, %parallel_loop3A_336] {strides = array<i32>} : memref<2x200x128xi32, #tpu.memory_space<vmem>>, vector<16xi32>,
      %parallel_loop3A_338 = arith.constant 16 : i32
      %parallel_loop3A_339 = vector.broadcast %parallel_loop3A_338 : i32 to vector<16xi32>
      %parallel_loop3A_340 = arith.muli %parallel_loop3A_337, %parallel_loop3A_339 : vector<16xi32>
      %parallel_loop3A_341 = arith.addi %parallel_loop3A_340, %iota3A : vector<16xi32>
      %parallel_loop3A_342 = tpu.vector_load_idx %arg6[%parallel_loop3A_341] : memref<3200xf32, #tpu.memory_space<vmem>>[vector<16xi32>], vector<16xf32>,
      %parallel_loop3A_343 = arith.constant 0 : i32
      %parallel_loop3A_344 = arith.index_cast %parallel_loop3A_343 : i32 to index
      %parallel_loop3A_345 = arith.index_cast %parallel_loop3A_287 : i32 to index
      %parallel_loop3A_346 = arith.constant 48 : index
      %parallel_loop3A_347 = tpu.vector_load %arg8[%parallel_loop3A_344, %parallel_loop3A_345, %parallel_loop3A_346] {strides = array<i32>} : memref<2x200x128xf32, #tpu.memory_space<vmem>>, vector<16xf32>,
      tpu.vector_store %arg8[%parallel_loop3A_344, %parallel_loop3A_345, %parallel_loop3A_346], %parallel_loop3A_342 {strides = array<i32>} : memref<2x200x128xf32, #tpu.memory_space<vmem>>, vector<16xf32>,
      %parallel_loop3A_348 = arith.constant 0 : i32
      %parallel_loop3A_349 = arith.index_cast %parallel_loop3A_348 : i32 to index
      %parallel_loop3A_350 = arith.index_cast %parallel_loop3A_287 : i32 to index
      %parallel_loop3A_351 = arith.constant 64 : index
      %parallel_loop3A_352 = tpu.vector_load %arg7[%parallel_loop3A_349, %parallel_loop3A_350, %parallel_loop3A_351] {strides = array<i32>} : memref<2x200x128xi32, #tpu.memory_space<vmem>>, vector<16xi32>,
      %parallel_loop3A_353 = arith.constant 16 : i32
      %parallel_loop3A_354 = vector.broadcast %parallel_loop3A_353 : i32 to vector<16xi32>
      %parallel_loop3A_355 = arith.muli %parallel_loop3A_352, %parallel_loop3A_354 : vector<16xi32>
      %parallel_loop3A_356 = arith.addi %parallel_loop3A_355, %iota3A : vector<16xi32>
      %parallel_loop3A_357 = tpu.vector_load_idx %arg6[%parallel_loop3A_356] : memref<3200xf32, #tpu.memory_space<vmem>>[vector<16xi32>], vector<16xf32>,
      %parallel_loop3A_358 = arith.constant 0 : i32
      %parallel_loop3A_359 = arith.index_cast %parallel_loop3A_358 : i32 to index
      %parallel_loop3A_360 = arith.index_cast %parallel_loop3A_287 : i32 to index
      %parallel_loop3A_361 = arith.constant 64 : index
      %parallel_loop3A_362 = tpu.vector_load %arg8[%parallel_loop3A_359, %parallel_loop3A_360, %parallel_loop3A_361] {strides = array<i32>} : memref<2x200x128xf32, #tpu.memory_space<vmem>>, vector<16xf32>,
      tpu.vector_store %arg8[%parallel_loop3A_359, %parallel_loop3A_360, %parallel_loop3A_361], %parallel_loop3A_357 {strides = array<i32>} : memref<2x200x128xf32, #tpu.memory_space<vmem>>, vector<16xf32>,
      %parallel_loop3A_363 = arith.constant 0 : i32
      %parallel_loop3A_364 = arith.index_cast %parallel_loop3A_363 : i32 to index
      %parallel_loop3A_365 = arith.index_cast %parallel_loop3A_287 : i32 to index
      %parallel_loop3A_366 = arith.constant 80 : index
      %parallel_loop3A_367 = tpu.vector_load %arg7[%parallel_loop3A_364, %parallel_loop3A_365, %parallel_loop3A_366] {strides = array<i32>} : memref<2x200x128xi32, #tpu.memory_space<vmem>>, vector<16xi32>,
      %parallel_loop3A_368 = arith.constant 16 : i32
      %parallel_loop3A_369 = vector.broadcast %parallel_loop3A_368 : i32 to vector<16xi32>
      %parallel_loop3A_370 = arith.muli %parallel_loop3A_367, %parallel_loop3A_369 : vector<16xi32>
      %parallel_loop3A_371 = arith.addi %parallel_loop3A_370, %iota3A : vector<16xi32>
      %parallel_loop3A_372 = tpu.vector_load_idx %arg6[%parallel_loop3A_371] : memref<3200xf32, #tpu.memory_space<vmem>>[vector<16xi32>], vector<16xf32>,
      %parallel_loop3A_373 = arith.constant 0 : i32
      %parallel_loop3A_374 = arith.index_cast %parallel_loop3A_373 : i32 to index
      %parallel_loop3A_375 = arith.index_cast %parallel_loop3A_287 : i32 to index
      %parallel_loop3A_376 = arith.constant 80 : index
      %parallel_loop3A_377 = tpu.vector_load %arg8[%parallel_loop3A_374, %parallel_loop3A_375, %parallel_loop3A_376] {strides = array<i32>} : memref<2x200x128xf32, #tpu.memory_space<vmem>>, vector<16xf32>,
      tpu.vector_store %arg8[%parallel_loop3A_374, %parallel_loop3A_375, %parallel_loop3A_376], %parallel_loop3A_372 {strides = array<i32>} : memref<2x200x128xf32, #tpu.memory_space<vmem>>, vector<16xf32>,
      %parallel_loop3A_378 = arith.constant 0 : i32
      %parallel_loop3A_379 = arith.index_cast %parallel_loop3A_378 : i32 to index
      %parallel_loop3A_380 = arith.index_cast %parallel_loop3A_287 : i32 to index
      %parallel_loop3A_381 = arith.constant 96 : index
      %parallel_loop3A_382 = tpu.vector_load %arg7[%parallel_loop3A_379, %parallel_loop3A_380, %parallel_loop3A_381] {strides = array<i32>} : memref<2x200x128xi32, #tpu.memory_space<vmem>>, vector<16xi32>,
      %parallel_loop3A_383 = arith.constant 16 : i32
      %parallel_loop3A_384 = vector.broadcast %parallel_loop3A_383 : i32 to vector<16xi32>
      %parallel_loop3A_385 = arith.muli %parallel_loop3A_382, %parallel_loop3A_384 : vector<16xi32>
      %parallel_loop3A_386 = arith.addi %parallel_loop3A_385, %iota3A : vector<16xi32>
      %parallel_loop3A_387 = tpu.vector_load_idx %arg6[%parallel_loop3A_386] : memref<3200xf32, #tpu.memory_space<vmem>>[vector<16xi32>], vector<16xf32>,
      %parallel_loop3A_388 = arith.constant 0 : i32
      %parallel_loop3A_389 = arith.index_cast %parallel_loop3A_388 : i32 to index
      %parallel_loop3A_390 = arith.index_cast %parallel_loop3A_287 : i32 to index
      %parallel_loop3A_391 = arith.constant 96 : index
      %parallel_loop3A_392 = tpu.vector_load %arg8[%parallel_loop3A_389, %parallel_loop3A_390, %parallel_loop3A_391] {strides = array<i32>} : memref<2x200x128xf32, #tpu.memory_space<vmem>>, vector<16xf32>,
      tpu.vector_store %arg8[%parallel_loop3A_389, %parallel_loop3A_390, %parallel_loop3A_391], %parallel_loop3A_387 {strides = array<i32>} : memref<2x200x128xf32, #tpu.memory_space<vmem>>, vector<16xf32>,
      %parallel_loop3A_393 = arith.constant 0 : i32
      %parallel_loop3A_394 = arith.index_cast %parallel_loop3A_393 : i32 to index
      %parallel_loop3A_395 = arith.index_cast %parallel_loop3A_287 : i32 to index
      %parallel_loop3A_396 = arith.constant 112 : index
      %parallel_loop3A_397 = tpu.vector_load %arg7[%parallel_loop3A_394, %parallel_loop3A_395, %parallel_loop3A_396] {strides = array<i32>} : memref<2x200x128xi32, #tpu.memory_space<vmem>>, vector<16xi32>,
      %parallel_loop3A_398 = arith.constant 16 : i32
      %parallel_loop3A_399 = vector.broadcast %parallel_loop3A_398 : i32 to vector<16xi32>
      %parallel_loop3A_400 = arith.muli %parallel_loop3A_397, %parallel_loop3A_399 : vector<16xi32>
      %parallel_loop3A_401 = arith.addi %parallel_loop3A_400, %iota3A : vector<16xi32>
      %parallel_loop3A_402 = tpu.vector_load_idx %arg6[%parallel_loop3A_401] : memref<3200xf32, #tpu.memory_space<vmem>>[vector<16xi32>], vector<16xf32>,
      %parallel_loop3A_403 = arith.constant 0 : i32
      %parallel_loop3A_404 = arith.index_cast %parallel_loop3A_403 : i32 to index
      %parallel_loop3A_405 = arith.index_cast %parallel_loop3A_287 : i32 to index
      %parallel_loop3A_406 = arith.constant 112 : index
      %parallel_loop3A_407 = tpu.vector_load %arg8[%parallel_loop3A_404, %parallel_loop3A_405, %parallel_loop3A_406] {strides = array<i32>} : memref<2x200x128xf32, #tpu.memory_space<vmem>>, vector<16xf32>,
      tpu.vector_store %arg8[%parallel_loop3A_404, %parallel_loop3A_405, %parallel_loop3A_406], %parallel_loop3A_402 {strides = array<i32>} : memref<2x200x128xf32, #tpu.memory_space<vmem>>, vector<16xf32>,
    } {sc.loop_unroll_factor = 1 : i64, sc.parallel_access}
    %add3A_58 = arith.constant 0 : i32
    %add3A_59 = arith.addi %mul3A_2, %add3A_58 : i32
    %dma_start3A_60 = arith.constant 0 : i32
    %dma_start3A_61 = arith.constant 0 : i32
    %dma_start3A_62 = arith.constant 0 : i32
    %dma_start3A_63 = arith.constant 0 : i32
    %dma_start3A_64 = tpu.memref_slice %arg8[%dma_start3A_60, %dma_start3A_62, %dma_start3A_63] : memref<2x200x128xf32, #tpu.memory_space<vmem>> -> memref<1x200x128xf32, #tpu.memory_space<vmem>>
    %dma_start3A_65 = tpu.memref_squeeze %dma_start3A_64 : memref<1x200x128xf32, #tpu.memory_space<vmem>> -> memref<200x128xf32, #tpu.memory_space<vmem>>
    %dma_start3A_66 = arith.constant 0 : i32
    %dma_start3A_67 = tpu.memref_slice %arg4[%dma_start3A_66, %add3A_59] : memref<200x16384xf32, #tpu.memory_space<hbm>> -> memref<200x128xf32, #tpu.memory_space<hbm>>
    %dma_start3A_68 = tpu.memref_slice %arg10[%dma_start3A_61] : memref<2x!tpu.dma_semaphore, #tpu.memory_space<semaphore_mem>> -> memref<1x!tpu.dma_semaphore, #tpu.memory_space<semaphore_mem>>
    %dma_start3A_69 = tpu.memref_squeeze %dma_start3A_68 : memref<1x!tpu.dma_semaphore, #tpu.memory_space<semaphore_mem>> -> memref<!tpu.dma_semaphore, #tpu.memory_space<semaphore_mem>>
    %dma_start3A_70 = arith.constant 0 : i32
    %dma_start3A_71 = tpu.memref_slice %arg4[%dma_start3A_70, %add3A_59] : memref<200x16384xf32, #tpu.memory_space<hbm>> -> memref<200x128xf32, #tpu.memory_space<hbm>>
    %dma_start3A_72 = arith.constant 0 : i32
    %dma_start3A_73 = arith.constant 0 : i32
    %dma_start3A_74 = tpu.memref_slice %arg8[%dma_start3A_60, %dma_start3A_72, %dma_start3A_73] : memref<2x200x128xf32, #tpu.memory_space<vmem>> -> memref<1x200x128xf32, #tpu.memory_space<vmem>>
    %dma_start3A_75 = tpu.memref_squeeze %dma_start3A_74 : memref<1x200x128xf32, #tpu.memory_space<vmem>> -> memref<200x128xf32, #tpu.memory_space<vmem>>
    tpu.enqueue_dma source(%dma_start3A_75 : memref<200x128xf32, #tpu.memory_space<vmem>>) target(%dma_start3A_71 : memref<200x128xf32, #tpu.memory_space<hbm>>) target_semaphore(%dma_start3A_69 : memref<!tpu.dma_semaphore, #tpu.memory_space<semaphore_mem>>)
    %add3A_76 = arith.constant 256 : i32
    %add3A_77 = arith.addi %mul3A_2, %add3A_76 : i32
    %dma_start3A_78 = arith.constant 0 : i32
    %dma_start3A_79 = arith.constant 0 : i32
    %dma_start3A_80 = arith.constant 0 : i32
    %dma_start3A_81 = arith.constant 0 : i32
    %dma_start3A_82 = tpu.memref_slice %arg7[%dma_start3A_78, %dma_start3A_80, %dma_start3A_81] : memref<2x200x128xi32, #tpu.memory_space<vmem>> -> memref<1x200x128xi32, #tpu.memory_space<vmem>>
    %dma_start3A_83 = tpu.memref_squeeze %dma_start3A_82 : memref<1x200x128xi32, #tpu.memory_space<vmem>> -> memref<200x128xi32, #tpu.memory_space<vmem>>
    %dma_start3A_84 = arith.constant 0 : i32
    %dma_start3A_85 = tpu.memref_slice %arg2[%dma_start3A_84, %add3A_77] : memref<200x16384xi32, #tpu.memory_space<hbm>> -> memref<200x128xi32, #tpu.memory_space<hbm>>
    %dma_start3A_86 = tpu.memref_slice %arg9[%dma_start3A_79] : memref<2x!tpu.dma_semaphore, #tpu.memory_space<semaphore_mem>> -> memref<1x!tpu.dma_semaphore, #tpu.memory_space<semaphore_mem>>
    %dma_start3A_87 = tpu.memref_squeeze %dma_start3A_86 : memref<1x!tpu.dma_semaphore, #tpu.memory_space<semaphore_mem>> -> memref<!tpu.dma_semaphore, #tpu.memory_space<semaphore_mem>>
    %dma_start3A_88 = arith.constant 0 : i32
    %dma_start3A_89 = arith.constant 0 : i32
    %dma_start3A_90 = tpu.memref_slice %arg7[%dma_start3A_78, %dma_start3A_88, %dma_start3A_89] : memref<2x200x128xi32, #tpu.memory_space<vmem>> -> memref<1x200x128xi32, #tpu.memory_space<vmem>>
    %dma_start3A_91 = tpu.memref_squeeze %dma_start3A_90 : memref<1x200x128xi32, #tpu.memory_space<vmem>> -> memref<200x128xi32, #tpu.memory_space<vmem>>
    %dma_start3A_92 = arith.constant 0 : i32
    %dma_start3A_93 = tpu.memref_slice %arg2[%dma_start3A_92, %add3A_77] : memref<200x16384xi32, #tpu.memory_space<hbm>> -> memref<200x128xi32, #tpu.memory_space<hbm>>
    tpu.enqueue_dma source(%dma_start3A_93 : memref<200x128xi32, #tpu.memory_space<hbm>>) target(%dma_start3A_91 : memref<200x128xi32, #tpu.memory_space<vmem>>) target_semaphore(%dma_start3A_87 : memref<!tpu.dma_semaphore, #tpu.memory_space<semaphore_mem>>)
    %dma_wait3A_94 = arith.constant 1 : i32
    %dma_wait3A_95 = arith.constant 1 : i32
    %dma_wait3A_96 = arith.constant 0 : i32
    %dma_wait3A_97 = arith.constant 0 : i32
    %dma_wait3A_98 = tpu.memref_slice %arg7[%dma_wait3A_94, %dma_wait3A_96, %dma_wait3A_97] : memref<2x200x128xi32, #tpu.memory_space<vmem>> -> memref<1x200x128xi32, #tpu.memory_space<vmem>>
    %dma_wait3A_99 = tpu.memref_squeeze %dma_wait3A_98 : memref<1x200x128xi32, #tpu.memory_space<vmem>> -> memref<200x128xi32, #tpu.memory_space<vmem>>
    %dma_wait3A_100 = arith.constant 0 : i32
    %dma_wait3A_101 = tpu.memref_slice %arg2[%dma_wait3A_100, %add3A_23] : memref<200x16384xi32, #tpu.memory_space<hbm>> -> memref<200x128xi32, #tpu.memory_space<hbm>>
    %dma_wait3A_102 = tpu.memref_slice %arg9[%dma_wait3A_95] : memref<2x!tpu.dma_semaphore, #tpu.memory_space<semaphore_mem>> -> memref<1x!tpu.dma_semaphore, #tpu.memory_space<semaphore_mem>>
    %dma_wait3A_103 = tpu.memref_squeeze %dma_wait3A_102 : memref<1x!tpu.dma_semaphore, #tpu.memory_space<semaphore_mem>> -> memref<!tpu.dma_semaphore, #tpu.memory_space<semaphore_mem>>
    %dma_wait3A_104 = arith.constant 0 : i32
    %dma_wait3A_105 = arith.constant 0 : i32
    %dma_wait3A_106 = tpu.memref_slice %arg7[%dma_wait3A_94, %dma_wait3A_104, %dma_wait3A_105] : memref<2x200x128xi32, #tpu.memory_space<vmem>> -> memref<1x200x128xi32, #tpu.memory_space<vmem>>
    %dma_wait3A_107 = tpu.memref_squeeze %dma_wait3A_106 : memref<1x200x128xi32, #tpu.memory_space<vmem>> -> memref<200x128xi32, #tpu.memory_space<vmem>>
    %dma_wait3A_108 = arith.constant 0 : i32
    %dma_wait3A_109 = tpu.memref_slice %arg2[%dma_wait3A_108, %add3A_23] : memref<200x16384xi32, #tpu.memory_space<hbm>> -> memref<200x128xi32, #tpu.memory_space<hbm>>
    tpu.wait_dma2 semaphore(%dma_wait3A_103 : memref<!tpu.dma_semaphore, #tpu.memory_space<semaphore_mem>>) src(%dma_wait3A_109 : memref<200x128xi32, #tpu.memory_space<hbm>>) dst(%dma_wait3A_107 : memref<200x128xi32, #tpu.memory_space<vmem>>)
    %parallel_loop3A_110 = arith.constant 0 : i32
    %parallel_loop3A_111 = arith.constant 200 : i32
    %parallel_loop3A_112 = arith.constant 1 : i32
    scf.for %parallel_loop3A_287 = %parallel_loop3A_110 to %parallel_loop3A_111 step %parallel_loop3A_112  : i32 {
      %parallel_loop3A_288 = arith.constant 1 : i32
      %parallel_loop3A_289 = arith.index_cast %parallel_loop3A_288 : i32 to index
      %parallel_loop3A_290 = arith.index_cast %parallel_loop3A_287 : i32 to index
      %parallel_loop3A_291 = arith.constant 0 : index
      %parallel_loop3A_292 = tpu.vector_load %arg7[%parallel_loop3A_289, %parallel_loop3A_290, %parallel_loop3A_291] {strides = array<i32>} : memref<2x200x128xi32, #tpu.memory_space<vmem>>, vector<16xi32>,
      %parallel_loop3A_293 = arith.constant 16 : i32
      %parallel_loop3A_294 = vector.broadcast %parallel_loop3A_293 : i32 to vector<16xi32>
      %parallel_loop3A_295 = arith.muli %parallel_loop3A_292, %parallel_loop3A_294 : vector<16xi32>
      %parallel_loop3A_296 = arith.addi %parallel_loop3A_295, %iota3A : vector<16xi32>
      %parallel_loop3A_297 = tpu.vector_load_idx %arg6[%parallel_loop3A_296] : memref<3200xf32, #tpu.memory_space<vmem>>[vector<16xi32>], vector<16xf32>,
      %parallel_loop3A_298 = arith.constant 1 : i32
      %parallel_loop3A_299 = arith.index_cast %parallel_loop3A_298 : i32 to index
      %parallel_loop3A_300 = arith.index_cast %parallel_loop3A_287 : i32 to index
      %parallel_loop3A_301 = arith.constant 0 : index
      %parallel_loop3A_302 = tpu.vector_load %arg8[%parallel_loop3A_299, %parallel_loop3A_300, %parallel_loop3A_301] {strides = array<i32>} : memref<2x200x128xf32, #tpu.memory_space<vmem>>, vector<16xf32>,
      tpu.vector_store %arg8[%parallel_loop3A_299, %parallel_loop3A_300, %parallel_loop3A_301], %parallel_loop3A_297 {strides = array<i32>} : memref<2x200x128xf32, #tpu.memory_space<vmem>>, vector<16xf32>,
      %parallel_loop3A_303 = arith.constant 1 : i32
      %parallel_loop3A_304 = arith.index_cast %parallel_loop3A_303 : i32 to index
      %parallel_loop3A_305 = arith.index_cast %parallel_loop3A_287 : i32 to index
      %parallel_loop3A_306 = arith.constant 16 : index
      %parallel_loop3A_307 = tpu.vector_load %arg7[%parallel_loop3A_304, %parallel_loop3A_305, %parallel_loop3A_306] {strides = array<i32>} : memref<2x200x128xi32, #tpu.memory_space<vmem>>, vector<16xi32>,
      %parallel_loop3A_308 = arith.constant 16 : i32
      %parallel_loop3A_309 = vector.broadcast %parallel_loop3A_308 : i32 to vector<16xi32>
      %parallel_loop3A_310 = arith.muli %parallel_loop3A_307, %parallel_loop3A_309 : vector<16xi32>
      %parallel_loop3A_311 = arith.addi %parallel_loop3A_310, %iota3A : vector<16xi32>
      %parallel_loop3A_312 = tpu.vector_load_idx %arg6[%parallel_loop3A_311] : memref<3200xf32, #tpu.memory_space<vmem>>[vector<16xi32>], vector<16xf32>,
      %parallel_loop3A_313 = arith.constant 1 : i32
      %parallel_loop3A_314 = arith.index_cast %parallel_loop3A_313 : i32 to index
      %parallel_loop3A_315 = arith.index_cast %parallel_loop3A_287 : i32 to index
      %parallel_loop3A_316 = arith.constant 16 : index
      %parallel_loop3A_317 = tpu.vector_load %arg8[%parallel_loop3A_314, %parallel_loop3A_315, %parallel_loop3A_316] {strides = array<i32>} : memref<2x200x128xf32, #tpu.memory_space<vmem>>, vector<16xf32>,
      tpu.vector_store %arg8[%parallel_loop3A_314, %parallel_loop3A_315, %parallel_loop3A_316], %parallel_loop3A_312 {strides = array<i32>} : memref<2x200x128xf32, #tpu.memory_space<vmem>>, vector<16xf32>,
      %parallel_loop3A_318 = arith.constant 1 : i32
      %parallel_loop3A_319 = arith.index_cast %parallel_loop3A_318 : i32 to index
      %parallel_loop3A_320 = arith.index_cast %parallel_loop3A_287 : i32 to index
      %parallel_loop3A_321 = arith.constant 32 : index
      %parallel_loop3A_322 = tpu.vector_load %arg7[%parallel_loop3A_319, %parallel_loop3A_320, %parallel_loop3A_321] {strides = array<i32>} : memref<2x200x128xi32, #tpu.memory_space<vmem>>, vector<16xi32>,
      %parallel_loop3A_323 = arith.constant 16 : i32
      %parallel_loop3A_324 = vector.broadcast %parallel_loop3A_323 : i32 to vector<16xi32>
      %parallel_loop3A_325 = arith.muli %parallel_loop3A_322, %parallel_loop3A_324 : vector<16xi32>
      %parallel_loop3A_326 = arith.addi %parallel_loop3A_325, %iota3A : vector<16xi32>
      %parallel_loop3A_327 = tpu.vector_load_idx %arg6[%parallel_loop3A_326] : memref<3200xf32, #tpu.memory_space<vmem>>[vector<16xi32>], vector<16xf32>,
      %parallel_loop3A_328 = arith.constant 1 : i32
      %parallel_loop3A_329 = arith.index_cast %parallel_loop3A_328 : i32 to index
      %parallel_loop3A_330 = arith.index_cast %parallel_loop3A_287 : i32 to index
      %parallel_loop3A_331 = arith.constant 32 : index
      %parallel_loop3A_332 = tpu.vector_load %arg8[%parallel_loop3A_329, %parallel_loop3A_330, %parallel_loop3A_331] {strides = array<i32>} : memref<2x200x128xf32, #tpu.memory_space<vmem>>, vector<16xf32>,
      tpu.vector_store %arg8[%parallel_loop3A_329, %parallel_loop3A_330, %parallel_loop3A_331], %parallel_loop3A_327 {strides = array<i32>} : memref<2x200x128xf32, #tpu.memory_space<vmem>>, vector<16xf32>,
      %parallel_loop3A_333 = arith.constant 1 : i32
      %parallel_loop3A_334 = arith.index_cast %parallel_loop3A_333 : i32 to index
      %parallel_loop3A_335 = arith.index_cast %parallel_loop3A_287 : i32 to index
      %parallel_loop3A_336 = arith.constant 48 : index
      %parallel_loop3A_337 = tpu.vector_load %arg7[%parallel_loop3A_334, %parallel_loop3A_335, %parallel_loop3A_336] {strides = array<i32>} : memref<2x200x128xi32, #tpu.memory_space<vmem>>, vector<16xi32>,
      %parallel_loop3A_338 = arith.constant 16 : i32
      %parallel_loop3A_339 = vector.broadcast %parallel_loop3A_338 : i32 to vector<16xi32>
      %parallel_loop3A_340 = arith.muli %parallel_loop3A_337, %parallel_loop3A_339 : vector<16xi32>
      %parallel_loop3A_341 = arith.addi %parallel_loop3A_340, %iota3A : vector<16xi32>
      %parallel_loop3A_342 = tpu.vector_load_idx %arg6[%parallel_loop3A_341] : memref<3200xf32, #tpu.memory_space<vmem>>[vector<16xi32>], vector<16xf32>,
      %parallel_loop3A_343 = arith.constant 1 : i32
      %parallel_loop3A_344 = arith.index_cast %parallel_loop3A_343 : i32 to index
      %parallel_loop3A_345 = arith.index_cast %parallel_loop3A_287 : i32 to index
      %parallel_loop3A_346 = arith.constant 48 : index
      %parallel_loop3A_347 = tpu.vector_load %arg8[%parallel_loop3A_344, %parallel_loop3A_345, %parallel_loop3A_346] {strides = array<i32>} : memref<2x200x128xf32, #tpu.memory_space<vmem>>, vector<16xf32>,
      tpu.vector_store %arg8[%parallel_loop3A_344, %parallel_loop3A_345, %parallel_loop3A_346], %parallel_loop3A_342 {strides = array<i32>} : memref<2x200x128xf32, #tpu.memory_space<vmem>>, vector<16xf32>,
      %parallel_loop3A_348 = arith.constant 1 : i32
      %parallel_loop3A_349 = arith.index_cast %parallel_loop3A_348 : i32 to index
      %parallel_loop3A_350 = arith.index_cast %parallel_loop3A_287 : i32 to index
      %parallel_loop3A_351 = arith.constant 64 : index
      %parallel_loop3A_352 = tpu.vector_load %arg7[%parallel_loop3A_349, %parallel_loop3A_350, %parallel_loop3A_351] {strides = array<i32>} : memref<2x200x128xi32, #tpu.memory_space<vmem>>, vector<16xi32>,
      %parallel_loop3A_353 = arith.constant 16 : i32
      %parallel_loop3A_354 = vector.broadcast %parallel_loop3A_353 : i32 to vector<16xi32>
      %parallel_loop3A_355 = arith.muli %parallel_loop3A_352, %parallel_loop3A_354 : vector<16xi32>
      %parallel_loop3A_356 = arith.addi %parallel_loop3A_355, %iota3A : vector<16xi32>
      %parallel_loop3A_357 = tpu.vector_load_idx %arg6[%parallel_loop3A_356] : memref<3200xf32, #tpu.memory_space<vmem>>[vector<16xi32>], vector<16xf32>,
      %parallel_loop3A_358 = arith.constant 1 : i32
      %parallel_loop3A_359 = arith.index_cast %parallel_loop3A_358 : i32 to index
      %parallel_loop3A_360 = arith.index_cast %parallel_loop3A_287 : i32 to index
      %parallel_loop3A_361 = arith.constant 64 : index
      %parallel_loop3A_362 = tpu.vector_load %arg8[%parallel_loop3A_359, %parallel_loop3A_360, %parallel_loop3A_361] {strides = array<i32>} : memref<2x200x128xf32, #tpu.memory_space<vmem>>, vector<16xf32>,
      tpu.vector_store %arg8[%parallel_loop3A_359, %parallel_loop3A_360, %parallel_loop3A_361], %parallel_loop3A_357 {strides = array<i32>} : memref<2x200x128xf32, #tpu.memory_space<vmem>>, vector<16xf32>,
      %parallel_loop3A_363 = arith.constant 1 : i32
      %parallel_loop3A_364 = arith.index_cast %parallel_loop3A_363 : i32 to index
      %parallel_loop3A_365 = arith.index_cast %parallel_loop3A_287 : i32 to index
      %parallel_loop3A_366 = arith.constant 80 : index
      %parallel_loop3A_367 = tpu.vector_load %arg7[%parallel_loop3A_364, %parallel_loop3A_365, %parallel_loop3A_366] {strides = array<i32>} : memref<2x200x128xi32, #tpu.memory_space<vmem>>, vector<16xi32>,
      %parallel_loop3A_368 = arith.constant 16 : i32
      %parallel_loop3A_369 = vector.broadcast %parallel_loop3A_368 : i32 to vector<16xi32>
      %parallel_loop3A_370 = arith.muli %parallel_loop3A_367, %parallel_loop3A_369 : vector<16xi32>
      %parallel_loop3A_371 = arith.addi %parallel_loop3A_370, %iota3A : vector<16xi32>
      %parallel_loop3A_372 = tpu.vector_load_idx %arg6[%parallel_loop3A_371] : memref<3200xf32, #tpu.memory_space<vmem>>[vector<16xi32>], vector<16xf32>,
      %parallel_loop3A_373 = arith.constant 1 : i32
      %parallel_loop3A_374 = arith.index_cast %parallel_loop3A_373 : i32 to index
      %parallel_loop3A_375 = arith.index_cast %parallel_loop3A_287 : i32 to index
      %parallel_loop3A_376 = arith.constant 80 : index
      %parallel_loop3A_377 = tpu.vector_load %arg8[%parallel_loop3A_374, %parallel_loop3A_375, %parallel_loop3A_376] {strides = array<i32>} : memref<2x200x128xf32, #tpu.memory_space<vmem>>, vector<16xf32>,
      tpu.vector_store %arg8[%parallel_loop3A_374, %parallel_loop3A_375, %parallel_loop3A_376], %parallel_loop3A_372 {strides = array<i32>} : memref<2x200x128xf32, #tpu.memory_space<vmem>>, vector<16xf32>,
      %parallel_loop3A_378 = arith.constant 1 : i32
      %parallel_loop3A_379 = arith.index_cast %parallel_loop3A_378 : i32 to index
      %parallel_loop3A_380 = arith.index_cast %parallel_loop3A_287 : i32 to index
      %parallel_loop3A_381 = arith.constant 96 : index
      %parallel_loop3A_382 = tpu.vector_load %arg7[%parallel_loop3A_379, %parallel_loop3A_380, %parallel_loop3A_381] {strides = array<i32>} : memref<2x200x128xi32, #tpu.memory_space<vmem>>, vector<16xi32>,
      %parallel_loop3A_383 = arith.constant 16 : i32
      %parallel_loop3A_384 = vector.broadcast %parallel_loop3A_383 : i32 to vector<16xi32>
      %parallel_loop3A_385 = arith.muli %parallel_loop3A_382, %parallel_loop3A_384 : vector<16xi32>
      %parallel_loop3A_386 = arith.addi %parallel_loop3A_385, %iota3A : vector<16xi32>
      %parallel_loop3A_387 = tpu.vector_load_idx %arg6[%parallel_loop3A_386] : memref<3200xf32, #tpu.memory_space<vmem>>[vector<16xi32>], vector<16xf32>,
      %parallel_loop3A_388 = arith.constant 1 : i32
      %parallel_loop3A_389 = arith.index_cast %parallel_loop3A_388 : i32 to index
      %parallel_loop3A_390 = arith.index_cast %parallel_loop3A_287 : i32 to index
      %parallel_loop3A_391 = arith.constant 96 : index
      %parallel_loop3A_392 = tpu.vector_load %arg8[%parallel_loop3A_389, %parallel_loop3A_390, %parallel_loop3A_391] {strides = array<i32>} : memref<2x200x128xf32, #tpu.memory_space<vmem>>, vector<16xf32>,
      tpu.vector_store %arg8[%parallel_loop3A_389, %parallel_loop3A_390, %parallel_loop3A_391], %parallel_loop3A_387 {strides = array<i32>} : memref<2x200x128xf32, #tpu.memory_space<vmem>>, vector<16xf32>,
      %parallel_loop3A_393 = arith.constant 1 : i32
      %parallel_loop3A_394 = arith.index_cast %parallel_loop3A_393 : i32 to index
      %parallel_loop3A_395 = arith.index_cast %parallel_loop3A_287 : i32 to index
      %parallel_loop3A_396 = arith.constant 112 : index
      %parallel_loop3A_397 = tpu.vector_load %arg7[%parallel_loop3A_394, %parallel_loop3A_395, %parallel_loop3A_396] {strides = array<i32>} : memref<2x200x128xi32, #tpu.memory_space<vmem>>, vector<16xi32>,
      %parallel_loop3A_398 = arith.constant 16 : i32
      %parallel_loop3A_399 = vector.broadcast %parallel_loop3A_398 : i32 to vector<16xi32>
      %parallel_loop3A_400 = arith.muli %parallel_loop3A_397, %parallel_loop3A_399 : vector<16xi32>
      %parallel_loop3A_401 = arith.addi %parallel_loop3A_400, %iota3A : vector<16xi32>
      %parallel_loop3A_402 = tpu.vector_load_idx %arg6[%parallel_loop3A_401] : memref<3200xf32, #tpu.memory_space<vmem>>[vector<16xi32>], vector<16xf32>,
      %parallel_loop3A_403 = arith.constant 1 : i32
      %parallel_loop3A_404 = arith.index_cast %parallel_loop3A_403 : i32 to index
      %parallel_loop3A_405 = arith.index_cast %parallel_loop3A_287 : i32 to index
      %parallel_loop3A_406 = arith.constant 112 : index
      %parallel_loop3A_407 = tpu.vector_load %arg8[%parallel_loop3A_404, %parallel_loop3A_405, %parallel_loop3A_406] {strides = array<i32>} : memref<2x200x128xf32, #tpu.memory_space<vmem>>, vector<16xf32>,
      tpu.vector_store %arg8[%parallel_loop3A_404, %parallel_loop3A_405, %parallel_loop3A_406], %parallel_loop3A_402 {strides = array<i32>} : memref<2x200x128xf32, #tpu.memory_space<vmem>>, vector<16xf32>,
    } {sc.loop_unroll_factor = 1 : i64, sc.parallel_access}
    %add3A_113 = arith.constant 128 : i32
    %add3A_114 = arith.addi %mul3A_2, %add3A_113 : i32
    %dma_start3A_115 = arith.constant 1 : i32
    %dma_start3A_116 = arith.constant 1 : i32
    %dma_start3A_117 = arith.constant 0 : i32
    %dma_start3A_118 = arith.constant 0 : i32
    %dma_start3A_119 = tpu.memref_slice %arg8[%dma_start3A_115, %dma_start3A_117, %dma_start3A_118] : memref<2x200x128xf32, #tpu.memory_space<vmem>> -> memref<1x200x128xf32, #tpu.memory_space<vmem>>
    %dma_start3A_120 = tpu.memref_squeeze %dma_start3A_119 : memref<1x200x128xf32, #tpu.memory_space<vmem>> -> memref<200x128xf32, #tpu.memory_space<vmem>>
    %dma_start3A_121 = arith.constant 0 : i32
    %dma_start3A_122 = tpu.memref_slice %arg4[%dma_start3A_121, %add3A_114] : memref<200x16384xf32, #tpu.memory_space<hbm>> -> memref<200x128xf32, #tpu.memory_space<hbm>>
    %dma_start3A_123 = tpu.memref_slice %arg10[%dma_start3A_116] : memref<2x!tpu.dma_semaphore, #tpu.memory_space<semaphore_mem>> -> memref<1x!tpu.dma_semaphore, #tpu.memory_space<semaphore_mem>>
    %dma_start3A_124 = tpu.memref_squeeze %dma_start3A_123 : memref<1x!tpu.dma_semaphore, #tpu.memory_space<semaphore_mem>> -> memref<!tpu.dma_semaphore, #tpu.memory_space<semaphore_mem>>
    %dma_start3A_125 = arith.constant 0 : i32
    %dma_start3A_126 = tpu.memref_slice %arg4[%dma_start3A_125, %add3A_114] : memref<200x16384xf32, #tpu.memory_space<hbm>> -> memref<200x128xf32, #tpu.memory_space<hbm>>
    %dma_start3A_127 = arith.constant 0 : i32
    %dma_start3A_128 = arith.constant 0 : i32
    %dma_start3A_129 = tpu.memref_slice %arg8[%dma_start3A_115, %dma_start3A_127, %dma_start3A_128] : memref<2x200x128xf32, #tpu.memory_space<vmem>> -> memref<1x200x128xf32, #tpu.memory_space<vmem>>
    %dma_start3A_130 = tpu.memref_squeeze %dma_start3A_129 : memref<1x200x128xf32, #tpu.memory_space<vmem>> -> memref<200x128xf32, #tpu.memory_space<vmem>>
    tpu.enqueue_dma source(%dma_start3A_130 : memref<200x128xf32, #tpu.memory_space<vmem>>) target(%dma_start3A_126 : memref<200x128xf32, #tpu.memory_space<hbm>>) target_semaphore(%dma_start3A_124 : memref<!tpu.dma_semaphore, #tpu.memory_space<semaphore_mem>>)
    %add3A_131 = arith.constant 384 : i32
    %add3A_132 = arith.addi %mul3A_2, %add3A_131 : i32
    %dma_start3A_133 = arith.constant 1 : i32
    %dma_start3A_134 = arith.constant 1 : i32
    %dma_start3A_135 = arith.constant 0 : i32
    %dma_start3A_136 = arith.constant 0 : i32
    %dma_start3A_137 = tpu.memref_slice %arg7[%dma_start3A_133, %dma_start3A_135, %dma_start3A_136] : memref<2x200x128xi32, #tpu.memory_space<vmem>> -> memref<1x200x128xi32, #tpu.memory_space<vmem>>
    %dma_start3A_138 = tpu.memref_squeeze %dma_start3A_137 : memref<1x200x128xi32, #tpu.memory_space<vmem>> -> memref<200x128xi32, #tpu.memory_space<vmem>>
    %dma_start3A_139 = arith.constant 0 : i32
    %dma_start3A_140 = tpu.memref_slice %arg2[%dma_start3A_139, %add3A_132] : memref<200x16384xi32, #tpu.memory_space<hbm>> -> memref<200x128xi32, #tpu.memory_space<hbm>>
    %dma_start3A_141 = tpu.memref_slice %arg9[%dma_start3A_134] : memref<2x!tpu.dma_semaphore, #tpu.memory_space<semaphore_mem>> -> memref<1x!tpu.dma_semaphore, #tpu.memory_space<semaphore_mem>>
    %dma_start3A_142 = tpu.memref_squeeze %dma_start3A_141 : memref<1x!tpu.dma_semaphore, #tpu.memory_space<semaphore_mem>> -> memref<!tpu.dma_semaphore, #tpu.memory_space<semaphore_mem>>
    %dma_start3A_143 = arith.constant 0 : i32
    %dma_start3A_144 = arith.constant 0 : i32
    %dma_start3A_145 = tpu.memref_slice %arg7[%dma_start3A_133, %dma_start3A_143, %dma_start3A_144] : memref<2x200x128xi32, #tpu.memory_space<vmem>> -> memref<1x200x128xi32, #tpu.memory_space<vmem>>
    %dma_start3A_146 = tpu.memref_squeeze %dma_start3A_145 : memref<1x200x128xi32, #tpu.memory_space<vmem>> -> memref<200x128xi32, #tpu.memory_space<vmem>>
    %dma_start3A_147 = arith.constant 0 : i32
    %dma_start3A_148 = tpu.memref_slice %arg2[%dma_start3A_147, %add3A_132] : memref<200x16384xi32, #tpu.memory_space<hbm>> -> memref<200x128xi32, #tpu.memory_space<hbm>>
    tpu.enqueue_dma source(%dma_start3A_148 : memref<200x128xi32, #tpu.memory_space<hbm>>) target(%dma_start3A_146 : memref<200x128xi32, #tpu.memory_space<vmem>>) target_semaphore(%dma_start3A_142 : memref<!tpu.dma_semaphore, #tpu.memory_space<semaphore_mem>>)
    %dma_wait3A_149 = arith.constant 0 : i32
    %dma_wait3A_150 = arith.constant 0 : i32
    %dma_wait3A_151 = arith.constant 0 : i32
    %dma_wait3A_152 = arith.constant 0 : i32
    %dma_wait3A_153 = tpu.memref_slice %arg7[%dma_wait3A_149, %dma_wait3A_151, %dma_wait3A_152] : memref<2x200x128xi32, #tpu.memory_space<vmem>> -> memref<1x200x128xi32, #tpu.memory_space<vmem>>
    %dma_wait3A_154 = tpu.memref_squeeze %dma_wait3A_153 : memref<1x200x128xi32, #tpu.memory_space<vmem>> -> memref<200x128xi32, #tpu.memory_space<vmem>>
    %dma_wait3A_155 = arith.constant 0 : i32
    %dma_wait3A_156 = tpu.memref_slice %arg2[%dma_wait3A_155, %add3A_77] : memref<200x16384xi32, #tpu.memory_space<hbm>> -> memref<200x128xi32, #tpu.memory_space<hbm>>
    %dma_wait3A_157 = tpu.memref_slice %arg9[%dma_wait3A_150] : memref<2x!tpu.dma_semaphore, #tpu.memory_space<semaphore_mem>> -> memref<1x!tpu.dma_semaphore, #tpu.memory_space<semaphore_mem>>
    %dma_wait3A_158 = tpu.memref_squeeze %dma_wait3A_157 : memref<1x!tpu.dma_semaphore, #tpu.memory_space<semaphore_mem>> -> memref<!tpu.dma_semaphore, #tpu.memory_space<semaphore_mem>>
    %dma_wait3A_159 = arith.constant 0 : i32
    %dma_wait3A_160 = arith.constant 0 : i32
    %dma_wait3A_161 = tpu.memref_slice %arg7[%dma_wait3A_149, %dma_wait3A_159, %dma_wait3A_160] : memref<2x200x128xi32, #tpu.memory_space<vmem>> -> memref<1x200x128xi32, #tpu.memory_space<vmem>>
    %dma_wait3A_162 = tpu.memref_squeeze %dma_wait3A_161 : memref<1x200x128xi32, #tpu.memory_space<vmem>> -> memref<200x128xi32, #tpu.memory_space<vmem>>
    %dma_wait3A_163 = arith.constant 0 : i32
    %dma_wait3A_164 = tpu.memref_slice %arg2[%dma_wait3A_163, %add3A_77] : memref<200x16384xi32, #tpu.memory_space<hbm>> -> memref<200x128xi32, #tpu.memory_space<hbm>>
    tpu.wait_dma2 semaphore(%dma_wait3A_158 : memref<!tpu.dma_semaphore, #tpu.memory_space<semaphore_mem>>) src(%dma_wait3A_164 : memref<200x128xi32, #tpu.memory_space<hbm>>) dst(%dma_wait3A_162 : memref<200x128xi32, #tpu.memory_space<vmem>>)
    %dma_wait3A_165 = arith.constant 0 : i32
    %dma_wait3A_166 = arith.constant 0 : i32
    %dma_wait3A_167 = arith.constant 0 : i32
    %dma_wait3A_168 = arith.constant 0 : i32
    %dma_wait3A_169 = tpu.memref_slice %arg8[%dma_wait3A_165, %dma_wait3A_167, %dma_wait3A_168] : memref<2x200x128xf32, #tpu.memory_space<vmem>> -> memref<1x200x128xf32, #tpu.memory_space<vmem>>
    %dma_wait3A_170 = tpu.memref_squeeze %dma_wait3A_169 : memref<1x200x128xf32, #tpu.memory_space<vmem>> -> memref<200x128xf32, #tpu.memory_space<vmem>>
    %dma_wait3A_171 = arith.constant 0 : i32
    %dma_wait3A_172 = tpu.memref_slice %arg4[%dma_wait3A_171, %add3A_59] : memref<200x16384xf32, #tpu.memory_space<hbm>> -> memref<200x128xf32, #tpu.memory_space<hbm>>
    %dma_wait3A_173 = tpu.memref_slice %arg10[%dma_wait3A_166] : memref<2x!tpu.dma_semaphore, #tpu.memory_space<semaphore_mem>> -> memref<1x!tpu.dma_semaphore, #tpu.memory_space<semaphore_mem>>
    %dma_wait3A_174 = tpu.memref_squeeze %dma_wait3A_173 : memref<1x!tpu.dma_semaphore, #tpu.memory_space<semaphore_mem>> -> memref<!tpu.dma_semaphore, #tpu.memory_space<semaphore_mem>>
    %dma_wait3A_175 = arith.constant 0 : i32
    %dma_wait3A_176 = tpu.memref_slice %arg4[%dma_wait3A_175, %add3A_59] : memref<200x16384xf32, #tpu.memory_space<hbm>> -> memref<200x128xf32, #tpu.memory_space<hbm>>
    %dma_wait3A_177 = arith.constant 0 : i32
    %dma_wait3A_178 = arith.constant 0 : i32
    %dma_wait3A_179 = tpu.memref_slice %arg8[%dma_wait3A_165, %dma_wait3A_177, %dma_wait3A_178] : memref<2x200x128xf32, #tpu.memory_space<vmem>> -> memref<1x200x128xf32, #tpu.memory_space<vmem>>
    %dma_wait3A_180 = tpu.memref_squeeze %dma_wait3A_179 : memref<1x200x128xf32, #tpu.memory_space<vmem>> -> memref<200x128xf32, #tpu.memory_space<vmem>>
    tpu.wait_dma2 semaphore(%dma_wait3A_174 : memref<!tpu.dma_semaphore, #tpu.memory_space<semaphore_mem>>) src(%dma_wait3A_180 : memref<200x128xf32, #tpu.memory_space<vmem>>) dst(%dma_wait3A_176 : memref<200x128xf32, #tpu.memory_space<hbm>>)
    %parallel_loop3A_181 = arith.constant 0 : i32
    %parallel_loop3A_182 = arith.constant 200 : i32
    %parallel_loop3A_183 = arith.constant 1 : i32
    scf.for %parallel_loop3A_287 = %parallel_loop3A_181 to %parallel_loop3A_182 step %parallel_loop3A_183  : i32 {
      %parallel_loop3A_288 = arith.constant 0 : i32
      %parallel_loop3A_289 = arith.index_cast %parallel_loop3A_288 : i32 to index
      %parallel_loop3A_290 = arith.index_cast %parallel_loop3A_287 : i32 to index
      %parallel_loop3A_291 = arith.constant 0 : index
      %parallel_loop3A_292 = tpu.vector_load %arg7[%parallel_loop3A_289, %parallel_loop3A_290, %parallel_loop3A_291] {strides = array<i32>} : memref<2x200x128xi32, #tpu.memory_space<vmem>>, vector<16xi32>,
      %parallel_loop3A_293 = arith.constant 16 : i32
      %parallel_loop3A_294 = vector.broadcast %parallel_loop3A_293 : i32 to vector<16xi32>
      %parallel_loop3A_295 = arith.muli %parallel_loop3A_292, %parallel_loop3A_294 : vector<16xi32>
      %parallel_loop3A_296 = arith.addi %parallel_loop3A_295, %iota3A : vector<16xi32>
      %parallel_loop3A_297 = tpu.vector_load_idx %arg6[%parallel_loop3A_296] : memref<3200xf32, #tpu.memory_space<vmem>>[vector<16xi32>], vector<16xf32>,
      %parallel_loop3A_298 = arith.constant 0 : i32
      %parallel_loop3A_299 = arith.index_cast %parallel_loop3A_298 : i32 to index
      %parallel_loop3A_300 = arith.index_cast %parallel_loop3A_287 : i32 to index
      %parallel_loop3A_301 = arith.constant 0 : index
      %parallel_loop3A_302 = tpu.vector_load %arg8[%parallel_loop3A_299, %parallel_loop3A_300, %parallel_loop3A_301] {strides = array<i32>} : memref<2x200x128xf32, #tpu.memory_space<vmem>>, vector<16xf32>,
      tpu.vector_store %arg8[%parallel_loop3A_299, %parallel_loop3A_300, %parallel_loop3A_301], %parallel_loop3A_297 {strides = array<i32>} : memref<2x200x128xf32, #tpu.memory_space<vmem>>, vector<16xf32>,
      %parallel_loop3A_303 = arith.constant 0 : i32
      %parallel_loop3A_304 = arith.index_cast %parallel_loop3A_303 : i32 to index
      %parallel_loop3A_305 = arith.index_cast %parallel_loop3A_287 : i32 to index
      %parallel_loop3A_306 = arith.constant 16 : index
      %parallel_loop3A_307 = tpu.vector_load %arg7[%parallel_loop3A_304, %parallel_loop3A_305, %parallel_loop3A_306] {strides = array<i32>} : memref<2x200x128xi32, #tpu.memory_space<vmem>>, vector<16xi32>,
      %parallel_loop3A_308 = arith.constant 16 : i32
      %parallel_loop3A_309 = vector.broadcast %parallel_loop3A_308 : i32 to vector<16xi32>
      %parallel_loop3A_310 = arith.muli %parallel_loop3A_307, %parallel_loop3A_309 : vector<16xi32>
      %parallel_loop3A_311 = arith.addi %parallel_loop3A_310, %iota3A : vector<16xi32>
      %parallel_loop3A_312 = tpu.vector_load_idx %arg6[%parallel_loop3A_311] : memref<3200xf32, #tpu.memory_space<vmem>>[vector<16xi32>], vector<16xf32>,
      %parallel_loop3A_313 = arith.constant 0 : i32
      %parallel_loop3A_314 = arith.index_cast %parallel_loop3A_313 : i32 to index
      %parallel_loop3A_315 = arith.index_cast %parallel_loop3A_287 : i32 to index
      %parallel_loop3A_316 = arith.constant 16 : index
      %parallel_loop3A_317 = tpu.vector_load %arg8[%parallel_loop3A_314, %parallel_loop3A_315, %parallel_loop3A_316] {strides = array<i32>} : memref<2x200x128xf32, #tpu.memory_space<vmem>>, vector<16xf32>,
      tpu.vector_store %arg8[%parallel_loop3A_314, %parallel_loop3A_315, %parallel_loop3A_316], %parallel_loop3A_312 {strides = array<i32>} : memref<2x200x128xf32, #tpu.memory_space<vmem>>, vector<16xf32>,
      %parallel_loop3A_318 = arith.constant 0 : i32
      %parallel_loop3A_319 = arith.index_cast %parallel_loop3A_318 : i32 to index
      %parallel_loop3A_320 = arith.index_cast %parallel_loop3A_287 : i32 to index
      %parallel_loop3A_321 = arith.constant 32 : index
      %parallel_loop3A_322 = tpu.vector_load %arg7[%parallel_loop3A_319, %parallel_loop3A_320, %parallel_loop3A_321] {strides = array<i32>} : memref<2x200x128xi32, #tpu.memory_space<vmem>>, vector<16xi32>,
      %parallel_loop3A_323 = arith.constant 16 : i32
      %parallel_loop3A_324 = vector.broadcast %parallel_loop3A_323 : i32 to vector<16xi32>
      %parallel_loop3A_325 = arith.muli %parallel_loop3A_322, %parallel_loop3A_324 : vector<16xi32>
      %parallel_loop3A_326 = arith.addi %parallel_loop3A_325, %iota3A : vector<16xi32>
      %parallel_loop3A_327 = tpu.vector_load_idx %arg6[%parallel_loop3A_326] : memref<3200xf32, #tpu.memory_space<vmem>>[vector<16xi32>], vector<16xf32>,
      %parallel_loop3A_328 = arith.constant 0 : i32
      %parallel_loop3A_329 = arith.index_cast %parallel_loop3A_328 : i32 to index
      %parallel_loop3A_330 = arith.index_cast %parallel_loop3A_287 : i32 to index
      %parallel_loop3A_331 = arith.constant 32 : index
      %parallel_loop3A_332 = tpu.vector_load %arg8[%parallel_loop3A_329, %parallel_loop3A_330, %parallel_loop3A_331] {strides = array<i32>} : memref<2x200x128xf32, #tpu.memory_space<vmem>>, vector<16xf32>,
      tpu.vector_store %arg8[%parallel_loop3A_329, %parallel_loop3A_330, %parallel_loop3A_331], %parallel_loop3A_327 {strides = array<i32>} : memref<2x200x128xf32, #tpu.memory_space<vmem>>, vector<16xf32>,
      %parallel_loop3A_333 = arith.constant 0 : i32
      %parallel_loop3A_334 = arith.index_cast %parallel_loop3A_333 : i32 to index
      %parallel_loop3A_335 = arith.index_cast %parallel_loop3A_287 : i32 to index
      %parallel_loop3A_336 = arith.constant 48 : index
      %parallel_loop3A_337 = tpu.vector_load %arg7[%parallel_loop3A_334, %parallel_loop3A_335, %parallel_loop3A_336] {strides = array<i32>} : memref<2x200x128xi32, #tpu.memory_space<vmem>>, vector<16xi32>,
      %parallel_loop3A_338 = arith.constant 16 : i32
      %parallel_loop3A_339 = vector.broadcast %parallel_loop3A_338 : i32 to vector<16xi32>
      %parallel_loop3A_340 = arith.muli %parallel_loop3A_337, %parallel_loop3A_339 : vector<16xi32>
      %parallel_loop3A_341 = arith.addi %parallel_loop3A_340, %iota3A : vector<16xi32>
      %parallel_loop3A_342 = tpu.vector_load_idx %arg6[%parallel_loop3A_341] : memref<3200xf32, #tpu.memory_space<vmem>>[vector<16xi32>], vector<16xf32>,
      %parallel_loop3A_343 = arith.constant 0 : i32
      %parallel_loop3A_344 = arith.index_cast %parallel_loop3A_343 : i32 to index
      %parallel_loop3A_345 = arith.index_cast %parallel_loop3A_287 : i32 to index
      %parallel_loop3A_346 = arith.constant 48 : index
      %parallel_loop3A_347 = tpu.vector_load %arg8[%parallel_loop3A_344, %parallel_loop3A_345, %parallel_loop3A_346] {strides = array<i32>} : memref<2x200x128xf32, #tpu.memory_space<vmem>>, vector<16xf32>,
      tpu.vector_store %arg8[%parallel_loop3A_344, %parallel_loop3A_345, %parallel_loop3A_346], %parallel_loop3A_342 {strides = array<i32>} : memref<2x200x128xf32, #tpu.memory_space<vmem>>, vector<16xf32>,
      %parallel_loop3A_348 = arith.constant 0 : i32
      %parallel_loop3A_349 = arith.index_cast %parallel_loop3A_348 : i32 to index
      %parallel_loop3A_350 = arith.index_cast %parallel_loop3A_287 : i32 to index
      %parallel_loop3A_351 = arith.constant 64 : index
      %parallel_loop3A_352 = tpu.vector_load %arg7[%parallel_loop3A_349, %parallel_loop3A_350, %parallel_loop3A_351] {strides = array<i32>} : memref<2x200x128xi32, #tpu.memory_space<vmem>>, vector<16xi32>,
      %parallel_loop3A_353 = arith.constant 16 : i32
      %parallel_loop3A_354 = vector.broadcast %parallel_loop3A_353 : i32 to vector<16xi32>
      %parallel_loop3A_355 = arith.muli %parallel_loop3A_352, %parallel_loop3A_354 : vector<16xi32>
      %parallel_loop3A_356 = arith.addi %parallel_loop3A_355, %iota3A : vector<16xi32>
      %parallel_loop3A_357 = tpu.vector_load_idx %arg6[%parallel_loop3A_356] : memref<3200xf32, #tpu.memory_space<vmem>>[vector<16xi32>], vector<16xf32>,
      %parallel_loop3A_358 = arith.constant 0 : i32
      %parallel_loop3A_359 = arith.index_cast %parallel_loop3A_358 : i32 to index
      %parallel_loop3A_360 = arith.index_cast %parallel_loop3A_287 : i32 to index
      %parallel_loop3A_361 = arith.constant 64 : index
      %parallel_loop3A_362 = tpu.vector_load %arg8[%parallel_loop3A_359, %parallel_loop3A_360, %parallel_loop3A_361] {strides = array<i32>} : memref<2x200x128xf32, #tpu.memory_space<vmem>>, vector<16xf32>,
      tpu.vector_store %arg8[%parallel_loop3A_359, %parallel_loop3A_360, %parallel_loop3A_361], %parallel_loop3A_357 {strides = array<i32>} : memref<2x200x128xf32, #tpu.memory_space<vmem>>, vector<16xf32>,
      %parallel_loop3A_363 = arith.constant 0 : i32
      %parallel_loop3A_364 = arith.index_cast %parallel_loop3A_363 : i32 to index
      %parallel_loop3A_365 = arith.index_cast %parallel_loop3A_287 : i32 to index
      %parallel_loop3A_366 = arith.constant 80 : index
      %parallel_loop3A_367 = tpu.vector_load %arg7[%parallel_loop3A_364, %parallel_loop3A_365, %parallel_loop3A_366] {strides = array<i32>} : memref<2x200x128xi32, #tpu.memory_space<vmem>>, vector<16xi32>,
      %parallel_loop3A_368 = arith.constant 16 : i32
      %parallel_loop3A_369 = vector.broadcast %parallel_loop3A_368 : i32 to vector<16xi32>
      %parallel_loop3A_370 = arith.muli %parallel_loop3A_367, %parallel_loop3A_369 : vector<16xi32>
      %parallel_loop3A_371 = arith.addi %parallel_loop3A_370, %iota3A : vector<16xi32>
      %parallel_loop3A_372 = tpu.vector_load_idx %arg6[%parallel_loop3A_371] : memref<3200xf32, #tpu.memory_space<vmem>>[vector<16xi32>], vector<16xf32>,
      %parallel_loop3A_373 = arith.constant 0 : i32
      %parallel_loop3A_374 = arith.index_cast %parallel_loop3A_373 : i32 to index
      %parallel_loop3A_375 = arith.index_cast %parallel_loop3A_287 : i32 to index
      %parallel_loop3A_376 = arith.constant 80 : index
      %parallel_loop3A_377 = tpu.vector_load %arg8[%parallel_loop3A_374, %parallel_loop3A_375, %parallel_loop3A_376] {strides = array<i32>} : memref<2x200x128xf32, #tpu.memory_space<vmem>>, vector<16xf32>,
      tpu.vector_store %arg8[%parallel_loop3A_374, %parallel_loop3A_375, %parallel_loop3A_376], %parallel_loop3A_372 {strides = array<i32>} : memref<2x200x128xf32, #tpu.memory_space<vmem>>, vector<16xf32>,
      %parallel_loop3A_378 = arith.constant 0 : i32
      %parallel_loop3A_379 = arith.index_cast %parallel_loop3A_378 : i32 to index
      %parallel_loop3A_380 = arith.index_cast %parallel_loop3A_287 : i32 to index
      %parallel_loop3A_381 = arith.constant 96 : index
      %parallel_loop3A_382 = tpu.vector_load %arg7[%parallel_loop3A_379, %parallel_loop3A_380, %parallel_loop3A_381] {strides = array<i32>} : memref<2x200x128xi32, #tpu.memory_space<vmem>>, vector<16xi32>,
      %parallel_loop3A_383 = arith.constant 16 : i32
      %parallel_loop3A_384 = vector.broadcast %parallel_loop3A_383 : i32 to vector<16xi32>
      %parallel_loop3A_385 = arith.muli %parallel_loop3A_382, %parallel_loop3A_384 : vector<16xi32>
      %parallel_loop3A_386 = arith.addi %parallel_loop3A_385, %iota3A : vector<16xi32>
      %parallel_loop3A_387 = tpu.vector_load_idx %arg6[%parallel_loop3A_386] : memref<3200xf32, #tpu.memory_space<vmem>>[vector<16xi32>], vector<16xf32>,
      %parallel_loop3A_388 = arith.constant 0 : i32
      %parallel_loop3A_389 = arith.index_cast %parallel_loop3A_388 : i32 to index
      %parallel_loop3A_390 = arith.index_cast %parallel_loop3A_287 : i32 to index
      %parallel_loop3A_391 = arith.constant 96 : index
      %parallel_loop3A_392 = tpu.vector_load %arg8[%parallel_loop3A_389, %parallel_loop3A_390, %parallel_loop3A_391] {strides = array<i32>} : memref<2x200x128xf32, #tpu.memory_space<vmem>>, vector<16xf32>,
      tpu.vector_store %arg8[%parallel_loop3A_389, %parallel_loop3A_390, %parallel_loop3A_391], %parallel_loop3A_387 {strides = array<i32>} : memref<2x200x128xf32, #tpu.memory_space<vmem>>, vector<16xf32>,
      %parallel_loop3A_393 = arith.constant 0 : i32
      %parallel_loop3A_394 = arith.index_cast %parallel_loop3A_393 : i32 to index
      %parallel_loop3A_395 = arith.index_cast %parallel_loop3A_287 : i32 to index
      %parallel_loop3A_396 = arith.constant 112 : index
      %parallel_loop3A_397 = tpu.vector_load %arg7[%parallel_loop3A_394, %parallel_loop3A_395, %parallel_loop3A_396] {strides = array<i32>} : memref<2x200x128xi32, #tpu.memory_space<vmem>>, vector<16xi32>,
      %parallel_loop3A_398 = arith.constant 16 : i32
      %parallel_loop3A_399 = vector.broadcast %parallel_loop3A_398 : i32 to vector<16xi32>
      %parallel_loop3A_400 = arith.muli %parallel_loop3A_397, %parallel_loop3A_399 : vector<16xi32>
      %parallel_loop3A_401 = arith.addi %parallel_loop3A_400, %iota3A : vector<16xi32>
      %parallel_loop3A_402 = tpu.vector_load_idx %arg6[%parallel_loop3A_401] : memref<3200xf32, #tpu.memory_space<vmem>>[vector<16xi32>], vector<16xf32>,
      %parallel_loop3A_403 = arith.constant 0 : i32
      %parallel_loop3A_404 = arith.index_cast %parallel_loop3A_403 : i32 to index
      %parallel_loop3A_405 = arith.index_cast %parallel_loop3A_287 : i32 to index
      %parallel_loop3A_406 = arith.constant 112 : index
      %parallel_loop3A_407 = tpu.vector_load %arg8[%parallel_loop3A_404, %parallel_loop3A_405, %parallel_loop3A_406] {strides = array<i32>} : memref<2x200x128xf32, #tpu.memory_space<vmem>>, vector<16xf32>,
      tpu.vector_store %arg8[%parallel_loop3A_404, %parallel_loop3A_405, %parallel_loop3A_406], %parallel_loop3A_402 {strides = array<i32>} : memref<2x200x128xf32, #tpu.memory_space<vmem>>, vector<16xf32>,
    } {sc.loop_unroll_factor = 1 : i64, sc.parallel_access}
    %add3A_184 = arith.constant 256 : i32
    %add3A_185 = arith.addi %mul3A_2, %add3A_184 : i32
    %dma_start3A_186 = arith.constant 0 : i32
    %dma_start3A_187 = arith.constant 0 : i32
    %dma_start3A_188 = arith.constant 0 : i32
    %dma_start3A_189 = arith.constant 0 : i32
    %dma_start3A_190 = tpu.memref_slice %arg8[%dma_start3A_186, %dma_start3A_188, %dma_start3A_189] : memref<2x200x128xf32, #tpu.memory_space<vmem>> -> memref<1x200x128xf32, #tpu.memory_space<vmem>>
    %dma_start3A_191 = tpu.memref_squeeze %dma_start3A_190 : memref<1x200x128xf32, #tpu.memory_space<vmem>> -> memref<200x128xf32, #tpu.memory_space<vmem>>
    %dma_start3A_192 = arith.constant 0 : i32
    %dma_start3A_193 = tpu.memref_slice %arg4[%dma_start3A_192, %add3A_185] : memref<200x16384xf32, #tpu.memory_space<hbm>> -> memref<200x128xf32, #tpu.memory_space<hbm>>
    %dma_start3A_194 = tpu.memref_slice %arg10[%dma_start3A_187] : memref<2x!tpu.dma_semaphore, #tpu.memory_space<semaphore_mem>> -> memref<1x!tpu.dma_semaphore, #tpu.memory_space<semaphore_mem>>
    %dma_start3A_195 = tpu.memref_squeeze %dma_start3A_194 : memref<1x!tpu.dma_semaphore, #tpu.memory_space<semaphore_mem>> -> memref<!tpu.dma_semaphore, #tpu.memory_space<semaphore_mem>>
    %dma_start3A_196 = arith.constant 0 : i32
    %dma_start3A_197 = tpu.memref_slice %arg4[%dma_start3A_196, %add3A_185] : memref<200x16384xf32, #tpu.memory_space<hbm>> -> memref<200x128xf32, #tpu.memory_space<hbm>>
    %dma_start3A_198 = arith.constant 0 : i32
    %dma_start3A_199 = arith.constant 0 : i32
    %dma_start3A_200 = tpu.memref_slice %arg8[%dma_start3A_186, %dma_start3A_198, %dma_start3A_199] : memref<2x200x128xf32, #tpu.memory_space<vmem>> -> memref<1x200x128xf32, #tpu.memory_space<vmem>>
    %dma_start3A_201 = tpu.memref_squeeze %dma_start3A_200 : memref<1x200x128xf32, #tpu.memory_space<vmem>> -> memref<200x128xf32, #tpu.memory_space<vmem>>
    tpu.enqueue_dma source(%dma_start3A_201 : memref<200x128xf32, #tpu.memory_space<vmem>>) target(%dma_start3A_197 : memref<200x128xf32, #tpu.memory_space<hbm>>) target_semaphore(%dma_start3A_195 : memref<!tpu.dma_semaphore, #tpu.memory_space<semaphore_mem>>)
    %dma_wait3A_202 = arith.constant 1 : i32
    %dma_wait3A_203 = arith.constant 1 : i32
    %dma_wait3A_204 = arith.constant 0 : i32
    %dma_wait3A_205 = arith.constant 0 : i32
    %dma_wait3A_206 = tpu.memref_slice %arg7[%dma_wait3A_202, %dma_wait3A_204, %dma_wait3A_205] : memref<2x200x128xi32, #tpu.memory_space<vmem>> -> memref<1x200x128xi32, #tpu.memory_space<vmem>>
    %dma_wait3A_207 = tpu.memref_squeeze %dma_wait3A_206 : memref<1x200x128xi32, #tpu.memory_space<vmem>> -> memref<200x128xi32, #tpu.memory_space<vmem>>
    %dma_wait3A_208 = arith.constant 0 : i32
    %dma_wait3A_209 = tpu.memref_slice %arg2[%dma_wait3A_208, %add3A_132] : memref<200x16384xi32, #tpu.memory_space<hbm>> -> memref<200x128xi32, #tpu.memory_space<hbm>>
    %dma_wait3A_210 = tpu.memref_slice %arg9[%dma_wait3A_203] : memref<2x!tpu.dma_semaphore, #tpu.memory_space<semaphore_mem>> -> memref<1x!tpu.dma_semaphore, #tpu.memory_space<semaphore_mem>>
    %dma_wait3A_211 = tpu.memref_squeeze %dma_wait3A_210 : memref<1x!tpu.dma_semaphore, #tpu.memory_space<semaphore_mem>> -> memref<!tpu.dma_semaphore, #tpu.memory_space<semaphore_mem>>
    %dma_wait3A_212 = arith.constant 0 : i32
    %dma_wait3A_213 = arith.constant 0 : i32
    %dma_wait3A_214 = tpu.memref_slice %arg7[%dma_wait3A_202, %dma_wait3A_212, %dma_wait3A_213] : memref<2x200x128xi32, #tpu.memory_space<vmem>> -> memref<1x200x128xi32, #tpu.memory_space<vmem>>
    %dma_wait3A_215 = tpu.memref_squeeze %dma_wait3A_214 : memref<1x200x128xi32, #tpu.memory_space<vmem>> -> memref<200x128xi32, #tpu.memory_space<vmem>>
    %dma_wait3A_216 = arith.constant 0 : i32
    %dma_wait3A_217 = tpu.memref_slice %arg2[%dma_wait3A_216, %add3A_132] : memref<200x16384xi32, #tpu.memory_space<hbm>> -> memref<200x128xi32, #tpu.memory_space<hbm>>
    tpu.wait_dma2 semaphore(%dma_wait3A_211 : memref<!tpu.dma_semaphore, #tpu.memory_space<semaphore_mem>>) src(%dma_wait3A_217 : memref<200x128xi32, #tpu.memory_space<hbm>>) dst(%dma_wait3A_215 : memref<200x128xi32, #tpu.memory_space<vmem>>)
    %dma_wait3A_218 = arith.constant 1 : i32
    %dma_wait3A_219 = arith.constant 1 : i32
    %dma_wait3A_220 = arith.constant 0 : i32
    %dma_wait3A_221 = arith.constant 0 : i32
    %dma_wait3A_222 = tpu.memref_slice %arg8[%dma_wait3A_218, %dma_wait3A_220, %dma_wait3A_221] : memref<2x200x128xf32, #tpu.memory_space<vmem>> -> memref<1x200x128xf32, #tpu.memory_space<vmem>>
    %dma_wait3A_223 = tpu.memref_squeeze %dma_wait3A_222 : memref<1x200x128xf32, #tpu.memory_space<vmem>> -> memref<200x128xf32, #tpu.memory_space<vmem>>
    %dma_wait3A_224 = arith.constant 0 : i32
    %dma_wait3A_225 = tpu.memref_slice %arg4[%dma_wait3A_224, %add3A_114] : memref<200x16384xf32, #tpu.memory_space<hbm>> -> memref<200x128xf32, #tpu.memory_space<hbm>>
    %dma_wait3A_226 = tpu.memref_slice %arg10[%dma_wait3A_219] : memref<2x!tpu.dma_semaphore, #tpu.memory_space<semaphore_mem>> -> memref<1x!tpu.dma_semaphore, #tpu.memory_space<semaphore_mem>>
    %dma_wait3A_227 = tpu.memref_squeeze %dma_wait3A_226 : memref<1x!tpu.dma_semaphore, #tpu.memory_space<semaphore_mem>> -> memref<!tpu.dma_semaphore, #tpu.memory_space<semaphore_mem>>
    %dma_wait3A_228 = arith.constant 0 : i32
    %dma_wait3A_229 = tpu.memref_slice %arg4[%dma_wait3A_228, %add3A_114] : memref<200x16384xf32, #tpu.memory_space<hbm>> -> memref<200x128xf32, #tpu.memory_space<hbm>>
    %dma_wait3A_230 = arith.constant 0 : i32
    %dma_wait3A_231 = arith.constant 0 : i32
    %dma_wait3A_232 = tpu.memref_slice %arg8[%dma_wait3A_218, %dma_wait3A_230, %dma_wait3A_231] : memref<2x200x128xf32, #tpu.memory_space<vmem>> -> memref<1x200x128xf32, #tpu.memory_space<vmem>>
    %dma_wait3A_233 = tpu.memref_squeeze %dma_wait3A_232 : memref<1x200x128xf32, #tpu.memory_space<vmem>> -> memref<200x128xf32, #tpu.memory_space<vmem>>
    tpu.wait_dma2 semaphore(%dma_wait3A_227 : memref<!tpu.dma_semaphore, #tpu.memory_space<semaphore_mem>>) src(%dma_wait3A_233 : memref<200x128xf32, #tpu.memory_space<vmem>>) dst(%dma_wait3A_229 : memref<200x128xf32, #tpu.memory_space<hbm>>)
    %parallel_loop3A_234 = arith.constant 0 : i32
    %parallel_loop3A_235 = arith.constant 200 : i32
    %parallel_loop3A_236 = arith.constant 1 : i32
    scf.for %parallel_loop3A_287 = %parallel_loop3A_234 to %parallel_loop3A_235 step %parallel_loop3A_236  : i32 {
      %parallel_loop3A_288 = arith.constant 1 : i32
      %parallel_loop3A_289 = arith.index_cast %parallel_loop3A_288 : i32 to index
      %parallel_loop3A_290 = arith.index_cast %parallel_loop3A_287 : i32 to index
      %parallel_loop3A_291 = arith.constant 0 : index
      %parallel_loop3A_292 = tpu.vector_load %arg7[%parallel_loop3A_289, %parallel_loop3A_290, %parallel_loop3A_291] {strides = array<i32>} : memref<2x200x128xi32, #tpu.memory_space<vmem>>, vector<16xi32>,
      %parallel_loop3A_293 = arith.constant 16 : i32
      %parallel_loop3A_294 = vector.broadcast %parallel_loop3A_293 : i32 to vector<16xi32>
      %parallel_loop3A_295 = arith.muli %parallel_loop3A_292, %parallel_loop3A_294 : vector<16xi32>
      %parallel_loop3A_296 = arith.addi %parallel_loop3A_295, %iota3A : vector<16xi32>
      %parallel_loop3A_297 = tpu.vector_load_idx %arg6[%parallel_loop3A_296] : memref<3200xf32, #tpu.memory_space<vmem>>[vector<16xi32>], vector<16xf32>,
      %parallel_loop3A_298 = arith.constant 1 : i32
      %parallel_loop3A_299 = arith.index_cast %parallel_loop3A_298 : i32 to index
      %parallel_loop3A_300 = arith.index_cast %parallel_loop3A_287 : i32 to index
      %parallel_loop3A_301 = arith.constant 0 : index
      %parallel_loop3A_302 = tpu.vector_load %arg8[%parallel_loop3A_299, %parallel_loop3A_300, %parallel_loop3A_301] {strides = array<i32>} : memref<2x200x128xf32, #tpu.memory_space<vmem>>, vector<16xf32>,
      tpu.vector_store %arg8[%parallel_loop3A_299, %parallel_loop3A_300, %parallel_loop3A_301], %parallel_loop3A_297 {strides = array<i32>} : memref<2x200x128xf32, #tpu.memory_space<vmem>>, vector<16xf32>,
      %parallel_loop3A_303 = arith.constant 1 : i32
      %parallel_loop3A_304 = arith.index_cast %parallel_loop3A_303 : i32 to index
      %parallel_loop3A_305 = arith.index_cast %parallel_loop3A_287 : i32 to index
      %parallel_loop3A_306 = arith.constant 16 : index
      %parallel_loop3A_307 = tpu.vector_load %arg7[%parallel_loop3A_304, %parallel_loop3A_305, %parallel_loop3A_306] {strides = array<i32>} : memref<2x200x128xi32, #tpu.memory_space<vmem>>, vector<16xi32>,
      %parallel_loop3A_308 = arith.constant 16 : i32
      %parallel_loop3A_309 = vector.broadcast %parallel_loop3A_308 : i32 to vector<16xi32>
      %parallel_loop3A_310 = arith.muli %parallel_loop3A_307, %parallel_loop3A_309 : vector<16xi32>
      %parallel_loop3A_311 = arith.addi %parallel_loop3A_310, %iota3A : vector<16xi32>
      %parallel_loop3A_312 = tpu.vector_load_idx %arg6[%parallel_loop3A_311] : memref<3200xf32, #tpu.memory_space<vmem>>[vector<16xi32>], vector<16xf32>,
      %parallel_loop3A_313 = arith.constant 1 : i32
      %parallel_loop3A_314 = arith.index_cast %parallel_loop3A_313 : i32 to index
      %parallel_loop3A_315 = arith.index_cast %parallel_loop3A_287 : i32 to index
      %parallel_loop3A_316 = arith.constant 16 : index
      %parallel_loop3A_317 = tpu.vector_load %arg8[%parallel_loop3A_314, %parallel_loop3A_315, %parallel_loop3A_316] {strides = array<i32>} : memref<2x200x128xf32, #tpu.memory_space<vmem>>, vector<16xf32>,
      tpu.vector_store %arg8[%parallel_loop3A_314, %parallel_loop3A_315, %parallel_loop3A_316], %parallel_loop3A_312 {strides = array<i32>} : memref<2x200x128xf32, #tpu.memory_space<vmem>>, vector<16xf32>,
      %parallel_loop3A_318 = arith.constant 1 : i32
      %parallel_loop3A_319 = arith.index_cast %parallel_loop3A_318 : i32 to index
      %parallel_loop3A_320 = arith.index_cast %parallel_loop3A_287 : i32 to index
      %parallel_loop3A_321 = arith.constant 32 : index
      %parallel_loop3A_322 = tpu.vector_load %arg7[%parallel_loop3A_319, %parallel_loop3A_320, %parallel_loop3A_321] {strides = array<i32>} : memref<2x200x128xi32, #tpu.memory_space<vmem>>, vector<16xi32>,
      %parallel_loop3A_323 = arith.constant 16 : i32
      %parallel_loop3A_324 = vector.broadcast %parallel_loop3A_323 : i32 to vector<16xi32>
      %parallel_loop3A_325 = arith.muli %parallel_loop3A_322, %parallel_loop3A_324 : vector<16xi32>
      %parallel_loop3A_326 = arith.addi %parallel_loop3A_325, %iota3A : vector<16xi32>
      %parallel_loop3A_327 = tpu.vector_load_idx %arg6[%parallel_loop3A_326] : memref<3200xf32, #tpu.memory_space<vmem>>[vector<16xi32>], vector<16xf32>,
      %parallel_loop3A_328 = arith.constant 1 : i32
      %parallel_loop3A_329 = arith.index_cast %parallel_loop3A_328 : i32 to index
      %parallel_loop3A_330 = arith.index_cast %parallel_loop3A_287 : i32 to index
      %parallel_loop3A_331 = arith.constant 32 : index
      %parallel_loop3A_332 = tpu.vector_load %arg8[%parallel_loop3A_329, %parallel_loop3A_330, %parallel_loop3A_331] {strides = array<i32>} : memref<2x200x128xf32, #tpu.memory_space<vmem>>, vector<16xf32>,
      tpu.vector_store %arg8[%parallel_loop3A_329, %parallel_loop3A_330, %parallel_loop3A_331], %parallel_loop3A_327 {strides = array<i32>} : memref<2x200x128xf32, #tpu.memory_space<vmem>>, vector<16xf32>,
      %parallel_loop3A_333 = arith.constant 1 : i32
      %parallel_loop3A_334 = arith.index_cast %parallel_loop3A_333 : i32 to index
      %parallel_loop3A_335 = arith.index_cast %parallel_loop3A_287 : i32 to index
      %parallel_loop3A_336 = arith.constant 48 : index
      %parallel_loop3A_337 = tpu.vector_load %arg7[%parallel_loop3A_334, %parallel_loop3A_335, %parallel_loop3A_336] {strides = array<i32>} : memref<2x200x128xi32, #tpu.memory_space<vmem>>, vector<16xi32>,
      %parallel_loop3A_338 = arith.constant 16 : i32
      %parallel_loop3A_339 = vector.broadcast %parallel_loop3A_338 : i32 to vector<16xi32>
      %parallel_loop3A_340 = arith.muli %parallel_loop3A_337, %parallel_loop3A_339 : vector<16xi32>
      %parallel_loop3A_341 = arith.addi %parallel_loop3A_340, %iota3A : vector<16xi32>
      %parallel_loop3A_342 = tpu.vector_load_idx %arg6[%parallel_loop3A_341] : memref<3200xf32, #tpu.memory_space<vmem>>[vector<16xi32>], vector<16xf32>,
      %parallel_loop3A_343 = arith.constant 1 : i32
      %parallel_loop3A_344 = arith.index_cast %parallel_loop3A_343 : i32 to index
      %parallel_loop3A_345 = arith.index_cast %parallel_loop3A_287 : i32 to index
      %parallel_loop3A_346 = arith.constant 48 : index
      %parallel_loop3A_347 = tpu.vector_load %arg8[%parallel_loop3A_344, %parallel_loop3A_345, %parallel_loop3A_346] {strides = array<i32>} : memref<2x200x128xf32, #tpu.memory_space<vmem>>, vector<16xf32>,
      tpu.vector_store %arg8[%parallel_loop3A_344, %parallel_loop3A_345, %parallel_loop3A_346], %parallel_loop3A_342 {strides = array<i32>} : memref<2x200x128xf32, #tpu.memory_space<vmem>>, vector<16xf32>,
      %parallel_loop3A_348 = arith.constant 1 : i32
      %parallel_loop3A_349 = arith.index_cast %parallel_loop3A_348 : i32 to index
      %parallel_loop3A_350 = arith.index_cast %parallel_loop3A_287 : i32 to index
      %parallel_loop3A_351 = arith.constant 64 : index
      %parallel_loop3A_352 = tpu.vector_load %arg7[%parallel_loop3A_349, %parallel_loop3A_350, %parallel_loop3A_351] {strides = array<i32>} : memref<2x200x128xi32, #tpu.memory_space<vmem>>, vector<16xi32>,
      %parallel_loop3A_353 = arith.constant 16 : i32
      %parallel_loop3A_354 = vector.broadcast %parallel_loop3A_353 : i32 to vector<16xi32>
      %parallel_loop3A_355 = arith.muli %parallel_loop3A_352, %parallel_loop3A_354 : vector<16xi32>
      %parallel_loop3A_356 = arith.addi %parallel_loop3A_355, %iota3A : vector<16xi32>
      %parallel_loop3A_357 = tpu.vector_load_idx %arg6[%parallel_loop3A_356] : memref<3200xf32, #tpu.memory_space<vmem>>[vector<16xi32>], vector<16xf32>,
      %parallel_loop3A_358 = arith.constant 1 : i32
      %parallel_loop3A_359 = arith.index_cast %parallel_loop3A_358 : i32 to index
      %parallel_loop3A_360 = arith.index_cast %parallel_loop3A_287 : i32 to index
      %parallel_loop3A_361 = arith.constant 64 : index
      %parallel_loop3A_362 = tpu.vector_load %arg8[%parallel_loop3A_359, %parallel_loop3A_360, %parallel_loop3A_361] {strides = array<i32>} : memref<2x200x128xf32, #tpu.memory_space<vmem>>, vector<16xf32>,
      tpu.vector_store %arg8[%parallel_loop3A_359, %parallel_loop3A_360, %parallel_loop3A_361], %parallel_loop3A_357 {strides = array<i32>} : memref<2x200x128xf32, #tpu.memory_space<vmem>>, vector<16xf32>,
      %parallel_loop3A_363 = arith.constant 1 : i32
      %parallel_loop3A_364 = arith.index_cast %parallel_loop3A_363 : i32 to index
      %parallel_loop3A_365 = arith.index_cast %parallel_loop3A_287 : i32 to index
      %parallel_loop3A_366 = arith.constant 80 : index
      %parallel_loop3A_367 = tpu.vector_load %arg7[%parallel_loop3A_364, %parallel_loop3A_365, %parallel_loop3A_366] {strides = array<i32>} : memref<2x200x128xi32, #tpu.memory_space<vmem>>, vector<16xi32>,
      %parallel_loop3A_368 = arith.constant 16 : i32
      %parallel_loop3A_369 = vector.broadcast %parallel_loop3A_368 : i32 to vector<16xi32>
      %parallel_loop3A_370 = arith.muli %parallel_loop3A_367, %parallel_loop3A_369 : vector<16xi32>
      %parallel_loop3A_371 = arith.addi %parallel_loop3A_370, %iota3A : vector<16xi32>
      %parallel_loop3A_372 = tpu.vector_load_idx %arg6[%parallel_loop3A_371] : memref<3200xf32, #tpu.memory_space<vmem>>[vector<16xi32>], vector<16xf32>,
      %parallel_loop3A_373 = arith.constant 1 : i32
      %parallel_loop3A_374 = arith.index_cast %parallel_loop3A_373 : i32 to index
      %parallel_loop3A_375 = arith.index_cast %parallel_loop3A_287 : i32 to index
      %parallel_loop3A_376 = arith.constant 80 : index
      %parallel_loop3A_377 = tpu.vector_load %arg8[%parallel_loop3A_374, %parallel_loop3A_375, %parallel_loop3A_376] {strides = array<i32>} : memref<2x200x128xf32, #tpu.memory_space<vmem>>, vector<16xf32>,
      tpu.vector_store %arg8[%parallel_loop3A_374, %parallel_loop3A_375, %parallel_loop3A_376], %parallel_loop3A_372 {strides = array<i32>} : memref<2x200x128xf32, #tpu.memory_space<vmem>>, vector<16xf32>,
      %parallel_loop3A_378 = arith.constant 1 : i32
      %parallel_loop3A_379 = arith.index_cast %parallel_loop3A_378 : i32 to index
      %parallel_loop3A_380 = arith.index_cast %parallel_loop3A_287 : i32 to index
      %parallel_loop3A_381 = arith.constant 96 : index
      %parallel_loop3A_382 = tpu.vector_load %arg7[%parallel_loop3A_379, %parallel_loop3A_380, %parallel_loop3A_381] {strides = array<i32>} : memref<2x200x128xi32, #tpu.memory_space<vmem>>, vector<16xi32>,
      %parallel_loop3A_383 = arith.constant 16 : i32
      %parallel_loop3A_384 = vector.broadcast %parallel_loop3A_383 : i32 to vector<16xi32>
      %parallel_loop3A_385 = arith.muli %parallel_loop3A_382, %parallel_loop3A_384 : vector<16xi32>
      %parallel_loop3A_386 = arith.addi %parallel_loop3A_385, %iota3A : vector<16xi32>
      %parallel_loop3A_387 = tpu.vector_load_idx %arg6[%parallel_loop3A_386] : memref<3200xf32, #tpu.memory_space<vmem>>[vector<16xi32>], vector<16xf32>,
      %parallel_loop3A_388 = arith.constant 1 : i32
      %parallel_loop3A_389 = arith.index_cast %parallel_loop3A_388 : i32 to index
      %parallel_loop3A_390 = arith.index_cast %parallel_loop3A_287 : i32 to index
      %parallel_loop3A_391 = arith.constant 96 : index
      %parallel_loop3A_392 = tpu.vector_load %arg8[%parallel_loop3A_389, %parallel_loop3A_390, %parallel_loop3A_391] {strides = array<i32>} : memref<2x200x128xf32, #tpu.memory_space<vmem>>, vector<16xf32>,
      tpu.vector_store %arg8[%parallel_loop3A_389, %parallel_loop3A_390, %parallel_loop3A_391], %parallel_loop3A_387 {strides = array<i32>} : memref<2x200x128xf32, #tpu.memory_space<vmem>>, vector<16xf32>,
      %parallel_loop3A_393 = arith.constant 1 : i32
      %parallel_loop3A_394 = arith.index_cast %parallel_loop3A_393 : i32 to index
      %parallel_loop3A_395 = arith.index_cast %parallel_loop3A_287 : i32 to index
      %parallel_loop3A_396 = arith.constant 112 : index
      %parallel_loop3A_397 = tpu.vector_load %arg7[%parallel_loop3A_394, %parallel_loop3A_395, %parallel_loop3A_396] {strides = array<i32>} : memref<2x200x128xi32, #tpu.memory_space<vmem>>, vector<16xi32>,
      %parallel_loop3A_398 = arith.constant 16 : i32
      %parallel_loop3A_399 = vector.broadcast %parallel_loop3A_398 : i32 to vector<16xi32>
      %parallel_loop3A_400 = arith.muli %parallel_loop3A_397, %parallel_loop3A_399 : vector<16xi32>
      %parallel_loop3A_401 = arith.addi %parallel_loop3A_400, %iota3A : vector<16xi32>
      %parallel_loop3A_402 = tpu.vector_load_idx %arg6[%parallel_loop3A_401] : memref<3200xf32, #tpu.memory_space<vmem>>[vector<16xi32>], vector<16xf32>,
      %parallel_loop3A_403 = arith.constant 1 : i32
      %parallel_loop3A_404 = arith.index_cast %parallel_loop3A_403 : i32 to index
      %parallel_loop3A_405 = arith.index_cast %parallel_loop3A_287 : i32 to index
      %parallel_loop3A_406 = arith.constant 112 : index
      %parallel_loop3A_407 = tpu.vector_load %arg8[%parallel_loop3A_404, %parallel_loop3A_405, %parallel_loop3A_406] {strides = array<i32>} : memref<2x200x128xf32, #tpu.memory_space<vmem>>, vector<16xf32>,
      tpu.vector_store %arg8[%parallel_loop3A_404, %parallel_loop3A_405, %parallel_loop3A_406], %parallel_loop3A_402 {strides = array<i32>} : memref<2x200x128xf32, #tpu.memory_space<vmem>>, vector<16xf32>,
    } {sc.loop_unroll_factor = 1 : i64, sc.parallel_access}
    %add3A_237 = arith.constant 384 : i32
    %add3A_238 = arith.addi %mul3A_2, %add3A_237 : i32
    %dma_start3A_239 = arith.constant 1 : i32
    %dma_start3A_240 = arith.constant 1 : i32
    %dma_start3A_241 = arith.constant 0 : i32
    %dma_start3A_242 = arith.constant 0 : i32
    %dma_start3A_243 = tpu.memref_slice %arg8[%dma_start3A_239, %dma_start3A_241, %dma_start3A_242] : memref<2x200x128xf32, #tpu.memory_space<vmem>> -> memref<1x200x128xf32, #tpu.memory_space<vmem>>
    %dma_start3A_244 = tpu.memref_squeeze %dma_start3A_243 : memref<1x200x128xf32, #tpu.memory_space<vmem>> -> memref<200x128xf32, #tpu.memory_space<vmem>>
    %dma_start3A_245 = arith.constant 0 : i32
    %dma_start3A_246 = tpu.memref_slice %arg4[%dma_start3A_245, %add3A_238] : memref<200x16384xf32, #tpu.memory_space<hbm>> -> memref<200x128xf32, #tpu.memory_space<hbm>>
    %dma_start3A_247 = tpu.memref_slice %arg10[%dma_start3A_240] : memref<2x!tpu.dma_semaphore, #tpu.memory_space<semaphore_mem>> -> memref<1x!tpu.dma_semaphore, #tpu.memory_space<semaphore_mem>>
    %dma_start3A_248 = tpu.memref_squeeze %dma_start3A_247 : memref<1x!tpu.dma_semaphore, #tpu.memory_space<semaphore_mem>> -> memref<!tpu.dma_semaphore, #tpu.memory_space<semaphore_mem>>
    %dma_start3A_249 = arith.constant 0 : i32
    %dma_start3A_250 = tpu.memref_slice %arg4[%dma_start3A_249, %add3A_238] : memref<200x16384xf32, #tpu.memory_space<hbm>> -> memref<200x128xf32, #tpu.memory_space<hbm>>
    %dma_start3A_251 = arith.constant 0 : i32
    %dma_start3A_252 = arith.constant 0 : i32
    %dma_start3A_253 = tpu.memref_slice %arg8[%dma_start3A_239, %dma_start3A_251, %dma_start3A_252] : memref<2x200x128xf32, #tpu.memory_space<vmem>> -> memref<1x200x128xf32, #tpu.memory_space<vmem>>
    %dma_start3A_254 = tpu.memref_squeeze %dma_start3A_253 : memref<1x200x128xf32, #tpu.memory_space<vmem>> -> memref<200x128xf32, #tpu.memory_space<vmem>>
    tpu.enqueue_dma source(%dma_start3A_254 : memref<200x128xf32, #tpu.memory_space<vmem>>) target(%dma_start3A_250 : memref<200x128xf32, #tpu.memory_space<hbm>>) target_semaphore(%dma_start3A_248 : memref<!tpu.dma_semaphore, #tpu.memory_space<semaphore_mem>>)
    %dma_wait3A_255 = arith.constant 0 : i32
    %dma_wait3A_256 = arith.constant 0 : i32
    %dma_wait3A_257 = arith.constant 0 : i32
    %dma_wait3A_258 = arith.constant 0 : i32
    %dma_wait3A_259 = tpu.memref_slice %arg8[%dma_wait3A_255, %dma_wait3A_257, %dma_wait3A_258] : memref<2x200x128xf32, #tpu.memory_space<vmem>> -> memref<1x200x128xf32, #tpu.memory_space<vmem>>
    %dma_wait3A_260 = tpu.memref_squeeze %dma_wait3A_259 : memref<1x200x128xf32, #tpu.memory_space<vmem>> -> memref<200x128xf32, #tpu.memory_space<vmem>>
    %dma_wait3A_261 = arith.constant 0 : i32
    %dma_wait3A_262 = tpu.memref_slice %arg4[%dma_wait3A_261, %add3A_185] : memref<200x16384xf32, #tpu.memory_space<hbm>> -> memref<200x128xf32, #tpu.memory_space<hbm>>
    %dma_wait3A_263 = tpu.memref_slice %arg10[%dma_wait3A_256] : memref<2x!tpu.dma_semaphore, #tpu.memory_space<semaphore_mem>> -> memref<1x!tpu.dma_semaphore, #tpu.memory_space<semaphore_mem>>
    %dma_wait3A_264 = tpu.memref_squeeze %dma_wait3A_263 : memref<1x!tpu.dma_semaphore, #tpu.memory_space<semaphore_mem>> -> memref<!tpu.dma_semaphore, #tpu.memory_space<semaphore_mem>>
    %dma_wait3A_265 = arith.constant 0 : i32
    %dma_wait3A_266 = tpu.memref_slice %arg4[%dma_wait3A_265, %add3A_185] : memref<200x16384xf32, #tpu.memory_space<hbm>> -> memref<200x128xf32, #tpu.memory_space<hbm>>
    %dma_wait3A_267 = arith.constant 0 : i32
    %dma_wait3A_268 = arith.constant 0 : i32
    %dma_wait3A_269 = tpu.memref_slice %arg8[%dma_wait3A_255, %dma_wait3A_267, %dma_wait3A_268] : memref<2x200x128xf32, #tpu.memory_space<vmem>> -> memref<1x200x128xf32, #tpu.memory_space<vmem>>
    %dma_wait3A_270 = tpu.memref_squeeze %dma_wait3A_269 : memref<1x200x128xf32, #tpu.memory_space<vmem>> -> memref<200x128xf32, #tpu.memory_space<vmem>>
    tpu.wait_dma2 semaphore(%dma_wait3A_264 : memref<!tpu.dma_semaphore, #tpu.memory_space<semaphore_mem>>) src(%dma_wait3A_270 : memref<200x128xf32, #tpu.memory_space<vmem>>) dst(%dma_wait3A_266 : memref<200x128xf32, #tpu.memory_space<hbm>>)
    %dma_wait3A_271 = arith.constant 1 : i32
    %dma_wait3A_272 = arith.constant 1 : i32
    %dma_wait3A_273 = arith.constant 0 : i32
    %dma_wait3A_274 = arith.constant 0 : i32
    %dma_wait3A_275 = tpu.memref_slice %arg8[%dma_wait3A_271, %dma_wait3A_273, %dma_wait3A_274] : memref<2x200x128xf32, #tpu.memory_space<vmem>> -> memref<1x200x128xf32, #tpu.memory_space<vmem>>
    %dma_wait3A_276 = tpu.memref_squeeze %dma_wait3A_275 : memref<1x200x128xf32, #tpu.memory_space<vmem>> -> memref<200x128xf32, #tpu.memory_space<vmem>>
    %dma_wait3A_277 = arith.constant 0 : i32
    %dma_wait3A_278 = tpu.memref_slice %arg4[%dma_wait3A_277, %add3A_238] : memref<200x16384xf32, #tpu.memory_space<hbm>> -> memref<200x128xf32, #tpu.memory_space<hbm>>
    %dma_wait3A_279 = tpu.memref_slice %arg10[%dma_wait3A_272] : memref<2x!tpu.dma_semaphore, #tpu.memory_space<semaphore_mem>> -> memref<1x!tpu.dma_semaphore, #tpu.memory_space<semaphore_mem>>
    %dma_wait3A_280 = tpu.memref_squeeze %dma_wait3A_279 : memref<1x!tpu.dma_semaphore, #tpu.memory_space<semaphore_mem>> -> memref<!tpu.dma_semaphore, #tpu.memory_space<semaphore_mem>>
    %dma_wait3A_281 = arith.constant 0 : i32
    %dma_wait3A_282 = tpu.memref_slice %arg4[%dma_wait3A_281, %add3A_238] : memref<200x16384xf32, #tpu.memory_space<hbm>> -> memref<200x128xf32, #tpu.memory_space<hbm>>
    %dma_wait3A_283 = arith.constant 0 : i32
    %dma_wait3A_284 = arith.constant 0 : i32
    %dma_wait3A_285 = tpu.memref_slice %arg8[%dma_wait3A_271, %dma_wait3A_283, %dma_wait3A_284] : memref<2x200x128xf32, #tpu.memory_space<vmem>> -> memref<1x200x128xf32, #tpu.memory_space<vmem>>
    %dma_wait3A_286 = tpu.memref_squeeze %dma_wait3A_285 : memref<1x200x128xf32, #tpu.memory_space<vmem>> -> memref<200x128xf32, #tpu.memory_space<vmem>>
    tpu.wait_dma2 semaphore(%dma_wait3A_280 : memref<!tpu.dma_semaphore, #tpu.memory_space<semaphore_mem>>) src(%dma_wait3A_286 : memref<200x128xf32, #tpu.memory_space<vmem>>) dst(%dma_wait3A_282 : memref<200x128xf32, #tpu.memory_space<hbm>>)
    return
  }
}

</mosaic_0001>

<sc_bundles>
// kernel: kernel.3.cloned.1.call-start
scs
__scs_entry_jumppad:
0x0: {  	(pc) =	sbr.rel $0x88, $3  }
0x1: {  	(tag) =	ssettag $0x0;
	lr =	simm.s32 $0x1  }
0x2: {  	[smem:$0x3F9F] =	sst lr;
	_ =	strace $0xD0000000  }
0x3: {  	_ = 	snop  }
0x4: {  	_ = 	snop  }
0x5: {  	_ = 	snop  }
0x6: {  	_ = 	snop  }
0x7: {  	_ = 	snop  }
__scs_overlays_trampoline_lowered:
0x8: {  	[smem:$0x3FAE] =	sst s0  }
0x9: {  	[smem:$0x3FAF] =	sst s1  }
0xa: {  	[smem:$0x3FB0] =	sst s2  }
0xb: {  	[smem:$0x3FB1] =	sst s3  }
0xc: {  	[smem:$0x3FB2] =	sst s4  }
0xd: {  	[smem:$0x3FB3] =	sst s5  }
0xe: {  	[smem:$0x3FB4] =	sst s6  }
0xf: {  	[smem:$0x3FB5] =	sst s7  }
0x10: {  	[smem:$0x3FB6] =	sst s8  }
0x11: {  	[smem:$0x3FB7] =	sst s9;
	s0 =	simm.s32 @!p0 $0x0  }
0x12: {  	s1 =	sld [smem:$0x3F9D];
	s0 =	simm.s32 @p0 $0x1  }
0x13: {  	[smem:$0x3FB8] =	sst s0;
	s0 =	simm.s32 @!p1 $0x0  }
0x14: {  	s2 =	sld [smem:$0x3F9C];
	s0 =	simm.s32 @p1 $0x1  }
0x15: {  	[smem:$0x3FB9] =	sst s0;
	s0 =	simm.s32 @!p2 $0x0  }
0x16: {  	s3 =	sld [smem:$0x3FDB];
	s0 =	simm.s32 @p2 $0x1  }
0x17: {  	s4 =	simm.s32 $0x1BF5;
	[smem:$0x3FBB] =	sst s0  }
0x18: {  	s0 =	sld [smem:$0x3F9E];
	_ =	swait.ge [sflag:s4], $0x0  }
0x19: {  	s7 =	sld [smem:$0x3F9F]  }
0x1a: {  	s8 =	sadd.s32 $0xFFFFE003, lr  }
0x1b: {  	s9 =	sadd.s32 $0xFFFFFEF7, lr;
	s5 =	simm.s32 $0xFFFFFFFF;
	p2 =	slt.u32 s8, $0xFFFFF086  }
0x1c: {  	p1 =	slt.u32 s9, $0xF7A;
	s5 =	simm.s32 @!p2 $0x0  }
0x1d: {  	s5 =	simm.s32 @p1 $0x1;
	p0 =	seq.s32 s7, s2  }
0x1e: {  	s7 =	smul.u32 @!p0 $0xF7A, s2;
	p2 =	seq.s32 @!p0 s5, $0x0  }
0x1f: {  	s9 =	smul.u32 $0xF7A, s1;
	s8 =	simm.s32 @!p0 $0x1BF5;
	p2 =	por !p2, p0  }
0x20: {  	[sflag:s8] =	ssyncset.s32 @!p0 $0xFFFFF086;
	s6 =	sadd.s32 @!p0 s3, s7;
	s7 =	simm.s32 @!p0 $0x108  }
0x21: {  	s3 =	sadd.s32 s3, s9;
	s6 =	sadd.s32 @!p0 $0x88, s6;
	s7 =	simm.s32 @p2 $0x1082  }
0x22: {  	[simem:s7], [sflag:s8] =	dma.local @!p0 [hbm:s6], $0xF7A  }
0x23: {  	s9 =	sor.u32 $0xD0000000, s2;
	s6 =	simm.s32 $0x108;
	_ =	swait.ge @!p0 [sflag:s8], $0x0  }
0x24: {  	s3 =	sadd.s32 $0x88, s3;
	s6 =	simm.s32 @!p1 $0x1082;
	[sflag:s4] =	ssyncset.s32 $0xFFFFF086  }
0x25: {  	[simem:s6], [sflag:s4] =	dma.local [hbm:s3], $0xF7A  }
0x26: {  	[smem:$0x3F9F] =	sst s1;
	(tag) =	ssettag s2;
	_ =	strace s9  }
0x27: {  	s1 =	sld [smem:$0x3FAF]  }
0x28: {  	s2 =	sld [smem:$0x3FB0]  }
0x29: {  	s4 =	sld [smem:$0x3FB2]  }
0x2a: {  	p0 =	seq.s32 s5, $0x0;
	s5 =	sld [smem:$0x3FB3]  }
0x2b: {  	s6 =	sld [smem:$0x3FB4]  }
0x2c: {  	s7 =	sld [smem:$0x3FB5]  }
0x2d: {  	s3 =	simm.s32 $0x108;
	s8 =	sld [smem:$0x3FB6]  }
0x2e: {  	s3 =	simm.s32 @!p0 $0x1082;
	s9 =	sld [smem:$0x3FB7]  }
0x2f: {  	lr =	sadd.s32 s0, s3;
	s0 =	sld [smem:$0x3FAE]  }
0x30: {  	s3 =	sld [smem:$0x3FB1]  }
0x31: {  	[smem:$0x3FBA] =	sst s10  }
0x32: {  	s10 =	sld [smem:$0x3FB8];
	_ =	sdelay $0x3  }
0x33: {  	p0 =	seq.s32 s10, $0x1;
	s10 =	sld [smem:$0x3FBA];
	_ =	sdelay $0x3  }
0x34: {  	[smem:$0x3FBA] =	sst s10  }
0x35: {  	s10 =	sld [smem:$0x3FB9];
	_ =	sdelay $0x3  }
0x36: {  	p1 =	seq.s32 s10, $0x1;
	s10 =	sld [smem:$0x3FBA];
	_ =	sdelay $0x3  }
0x37: {  	[smem:$0x3FBA] =	sst s10  }
0x38: {  	s10 =	sld [smem:$0x3FBB]  }
0x39: {  	_ = 	snop;
	(pc) =	sbr.ind lr, $3  }
0x3a: {  	_ = 	snop  }
0x3b: {  	_ = 	snop  }
0x3c: {  	p2 =	seq.s32 s10, $0x1;
	s10 =	sld [smem:$0x3FBA]  }
0x3d: {  	_ =	shalt  }
0x3e: {  	_ =	shalt  }
0x3f: {  	_ =	shalt  }
0x40: {  	_ =	shalt  }
0x41: {  	_ =	shalt  }
0x42: {  	_ =	shalt  }
0x43: {  	_ =	shalt  }
0x44: {  	_ =	shalt  }
0x45: {  	_ =	shalt  }
0x46: {  	_ =	shalt  }
0x47: {  	_ =	shalt  }
0x48: {  	_ =	shalt  }
0x49: {  	_ =	shalt  }
0x4a: {  	_ =	shalt  }
0x4b: {  	_ =	shalt  }
0x4c: {  	_ =	shalt  }
0x4d: {  	_ =	shalt  }
0x4e: {  	_ =	shalt  }
0x4f: {  	_ =	shalt  }
0x50: {  	_ =	shalt  }
0x51: {  	_ =	shalt  }
0x52: {  	_ =	shalt  }
0x53: {  	_ =	shalt  }
0x54: {  	_ =	shalt  }
0x55: {  	_ =	shalt  }
0x56: {  	_ =	shalt  }
0x57: {  	_ =	shalt  }
0x58: {  	_ =	shalt  }
0x59: {  	_ =	shalt  }
0x5a: {  	_ =	shalt  }
0x5b: {  	_ =	shalt  }
0x5c: {  	_ =	shalt  }
0x5d: {  	_ =	shalt  }
0x5e: {  	_ =	shalt  }
0x5f: {  	_ =	shalt  }
0x60: {  	_ =	shalt  }
0x61: {  	_ =	shalt  }
0x62: {  	_ =	shalt  }
0x63: {  	_ =	shalt  }
0x64: {  	_ =	shalt  }
0x65: {  	_ =	shalt  }
0x66: {  	_ =	shalt  }
0x67: {  	_ =	shalt  }
0x68: {  	_ =	shalt  }
0x69: {  	_ =	shalt  }
0x6a: {  	_ =	shalt  }
0x6b: {  	_ =	shalt  }
0x6c: {  	_ =	shalt  }
0x6d: {  	_ =	shalt  }
0x6e: {  	_ =	shalt  }
0x6f: {  	_ =	shalt  }
0x70: {  	_ =	shalt  }
0x71: {  	_ =	shalt  }
0x72: {  	_ =	shalt  }
0x73: {  	_ =	shalt  }
0x74: {  	_ =	shalt  }
0x75: {  	_ =	shalt  }
0x76: {  	_ =	shalt  }
0x77: {  	_ =	shalt  }
0x78: {  	_ =	shalt  }
0x79: {  	_ =	shalt  }
0x7a: {  	_ =	shalt  }
0x7b: {  	_ =	shalt  }
0x7c: {  	_ =	shalt  }
0x7d: {  	_ =	shalt  }
0x7e: {  	_ =	shalt  }
0x7f: {  	_ =	shalt  }
0x80: {  	_ =	shalt  }
0x81: {  	_ =	shalt  }
0x82: {  	_ =	shalt  }
0x83: {  	_ =	shalt  }
0x84: {  	_ =	shalt  }
0x85: {  	_ =	shalt  }
0x86: {  	_ =	shalt  }
0x87: {  	_ =	shalt  }
.Lfunc_end0:
.L_simem_size_0:
called_computation_lowered:
.L_overlay_start_0:
0x88: {  	s2 =	sld [smem:$0x3FD9]  }
0x89: {  	s3 =	sld [smem:$0x3FFE];
	_ =	sdelay $0x1  }
0x8a: {  	s1 =	srdreg.scid  }
0x8b: {  	s0 =	sand.u32 $0x1, s1  }
0x8c: {  	s18 =	sshll.u32 s0, $0xA;
	s2 =	sadd.s32 s3, s2  }
0x8d: {  	s2 =	sadd.s32 s2, s18  }
0x8e: {  	[smem:$0x3FC6] =	sst s2  }
0x8f: {  	_ = 	snop  }
0x90: {  	s2 =	sld [smem:$0x3FC9]  }
0x91: {  	s19 =	sld [smem:$0x3FC8]  }
0x92: {  	s4 =	sld [smem:$0x3FD0];
	(tm) =	ssettm $0x1  }
0x93: {  	s5 =	sld [smem:$0x3FFB];
	_ =	sdelay $0x3  }
0x94: {  	_ =	strace s5  }
0x95: {  	s5 =	sld [smem:$0x3FFC];
	_ =	sdelay $0x3  }
0x96: {  	_ =	strace s5  }
0x97: {  	s5 =	sld [smem:$0x3FFD];
	_ =	sdelay $0x3  }
0x98: {  	_ =	strace s5  }
0x99: {  	_ =	strace $0x8FFFFFFF  }
0x9a: {  	s20 =	sld [smem:$0x3FDB];
	_ =	sdelay $0x1  }
0x9b: {  	s6 =	simm.s32 $_scs_section_size  }
0x9c: {  	s7 =	simm.s32 $_size__tile_overlayer_lowered;
	s8 =	simm.s32 $_tile_overlayer_lowered  }
0x9d: {  	s23 =	simm.s32 $0x1BFF;
	s22 =	sshll.u32 s8, $0x1;
	s5 =	sadd.s32 s6, s20  }
0x9e: {  	s9 =	simm.s32 $0x0;
	s21 =	sshll.u32 s7, $0x1;
	s7 =	sadd.s32 s22, s5  }
0x9f: {  	[timem:s9], [sflag:s23] =	dma.local [hbm:s7], s21  }
0xa0: {  	_ =	swait.ge [sflag:s23], s21  }
0xa1: {  	s6 =	ssub.s32 $0x0, s21;
	[sflag:s23] =	ssyncset.done $0x0  }
0xa2: {  	[sflag:s23] =	ssyncadd.s32 s6;
	_ =	sdelay $0x1  }
0xa3: {  	s24 =	simm.s32 $0x1B8B  }
0xa4: {  	_ =	swait.ge [sflag:s24], $0x1  }
0xa5: {  	[sflag:s24] =	ssyncset.done $0x0  }
0xa6: {  	s25 =	simm.s32 $0x1B8E;
	[sflag:s24] =	ssyncadd.s32 $0xFFFFFFFF  }
0xa7: {  	s26 =	simm.s32 $execute0_lowered;
	[smem:$0x3FD2] =	sst s25  }
0xa8: {  	s6 =	sshll.u32 s26, $0x1;
	_ =	strace $0x80000046;
	[dreg:$0x1] =	wrdreg $0xFFFFFFFF  }
0xa9: {  	s28 =	simm.s32 $_size_execute0_lowered;
	s5 =	sadd.s32 s5, s6;
	[dreg:$0x0] =	wrdreg $0x0  }
0xaa: {  	s6 =	sshll.u32 s28, $0x1;
	[dreg:$0x2] =	wrdreg s5  }
0xab: {  	[dreg:$0x3] =	wrdreg s6  }
0xac: {  	[dreg:$0x4] =	wrdreg $0xC0  }
0xad: {  	_ =	task [dreg:s9], $0x5FFFF  }
0xae: {  	[dreg:$0x1] =	wrdreg $0xFFFFFFFF  }
0xaf: {  	[dreg:$0x0] =	wrdreg $0x60  }
0xb0: {  	[dreg:$0x2] =	wrdreg s2  }
0xb1: {  	[dreg:$0x3] =	wrdreg s19  }
0xb2: {  	[dreg:$0x4] =	wrdreg s4  }
0xb3: {  	[dreg:$0x5] =	wrdreg $0x9  }
0xb4: {  	_ =	task.clear_ibuf [dreg:s9], $0x6FFFF;
	_ =	strace $0x90000046  }
0xb5: {  	s29 =	simm.s32 $0x9;
	_ =	strace $0x80000048  }
0xb6: {  	_ =	swait.ge [sflag:s29], $0x1  }
0xb7: {  	[sflag:s29] =	ssyncadd.s32 $0xFFFFFFFF  }
0xb8: {  	_ =	strace $0x90000048  }
0xb9: {  	_ =	sfence  }
0xba: {  	s30 =	sld [smem:$0x0];
	_ =	sdelay $0x2  }
0xbb: {  	s31 =	sshll.u32 s1, $0xD;
	s1 =	sshrl.u32 s1, $0x2  }
0xbc: {  	s3 =	sand.u32 $0x4000, s31;
	s1 =	sadd.s32 s1, s30  }
0xbd: {  	s0 =	sor.u32 s3, s0;
	s1 =	sshll.u32 s1, $0x11  }
0xbe: {  	s0 =	sor.u32 s1, s0  }
0xbf: {  	s0 =	sadd.s32 $0x8F2B, s0  }
0xc0: {  	[sflag:s0] =	ssyncadd.remote.s32 $0x1  }
0xc1: {  	_ =	sfence.sel $0xFFFF  }
0xc2: {  	[dreg:$0x0] =	wrdreg $0xFFFFFFFF;
	(pc) =	sbr.abs _section_cstart, $3  }
0xc3: {  	[dreg:$0x1] =	wrdreg $0xFFFFFFFF  }
0xc4: {  	_ =	task.clear_ibuf [dreg:s9], $0x2FFFF;
	_ =	strace $0x9FFFFFFF  }
0xc5: {  	(tm) =	ssettm $0x7FFFFFFF  }
tec
execute0_lowered:
.L_overlay_start_1:
0x0: {  	(tag) =	ssettag $0x1  }
0x1: {  	s0 =	rddreg [dreg:$0x0]  }
0x2: {  	s1 =	rddreg [dreg:$0x1]  }
0x3: {  	s11 =	rddreg [dreg:$0x2];
	s4 =	srdreg.scid  }
0x4: {  	s3 =	simm.s32 $0x0;
	s2 =	stileid.u32;
	s14 =	simm.s32 $0x20000  }
0x5: {  	s15 =	simm.s32 $0xD80;
	s16 =	simm.s32 $0x5;
	s17 =	simm.s32 $0x7180  }
0x6: {  	s18 =	simm.s32 $0x1;
	s19 =	simm.s32 $0x100;
	s20 =	simm.s32 $0xD580  }
0x7: {  	s21 =	simm.s32 $0x2;
	s22 =	simm.s32 $0x13980;
	s23 =	simm.s32 $0x3  }
0x8: {  	s24 =	simm.s32 $0x4;
	s25 =	simm.s32 $0x0;
	s4 =	sand.u32 $0x1, s4  }
0x9: {  	s6 =	sshll.u32 s2, $0xA;
	s5 =	ssub.s32 $0x2, s4;
	s4 =	sshll.u32 s4, $0x9  }
0xa: {  	[smem:$0x7FF] =	sst s3;
	s7 =	sshrl.u32 s5, $0x1;
	s8 =	sor.u32 s4, s6  }
0xb: {  	_ =	strace $0x80000047;
	s12 =	ssub.s32 s5, s7;
	s9 =	sor.u32 $0x80, s8  }
0xc: {  	s4 =	sadd.s32 s0, s8;
	s10 =	sor.u32 $0x100, s8;
	s6 =	sadd.s32 s11, s8  }
0xd: {  	s13 =	sor.u32 $0x180, s8;
	s5 =	sadd.s32 s0, s9;
	s7 =	sadd.s32 s0, s10  }
0xe: {  	s8 =	sadd.s32 s11, s9;
	s9 =	sadd.s32 s0, s13;
	s10 =	sadd.s32 s11, s10  }
0xf: {  	v0 =	vlaneseq.u32;
	s11 =	sadd.s32 s11, s13;
	s12 =	smax.u32 s12, $0x1;
	s13 =	simm.s32 $0x400  }
.LBB2_1:
0x10: {  	[tilespmem:s15], [sflag:$0x1] =	stream.strided.gather [hbm4b:s4+s13], $0x6400, s14, s13, $0x38;
	[tilespmem:$0x19D80] =	vst v63  }
0x11: {  	v1 =	vmov s3  }
0x12: {  	[tilespmem:s3], [sflag:$0x5] =	stream.linear.gather [hbm4b:s1+s3], $0x100, $0x38;
	[tilespmem:$0x19D80] =	vst v63  }
0x13: {  	_ =	swait.ge [sflag:s16], $0x100  }
0x14: {  	[sflag:s16] =	ssyncset.done $0x0  }
0x15: {  	s0 =	simm.s32 $0x1;
	[sflag:s16] =	ssyncadd.s32 $0xFFFFFF00  }
0x16: {  	v2 =	vld.idx.msk [tilespmem:v1+s3+$0x0], $0xffff;
	v1 =	vmov s0;
	_ =	sdelay $0x4  }
0x17: {  	s26 =	simm.s32 $0x100;
	s0 =	simm.s32 $0x2;
	v1 =	vld.idx.msk [tilespmem:v1+s3+$0x0], $0xffff;
	[tilespmem:s19+$0x0] =	vst v2  }
.LBB2_2:
0x18: {  	v2 =	vmov s0;
	p0 =	sne.s32 s0, $0xC7;
	s0 =	sadd.s32 $0x1, s0  }
.Ltmp0:
0x19: {  	(pc) =	sbr.rel @p0 .LBB2_2-.Ltmp0, $3  }
0x1a: {  	_ =	sdelay $0x1  }
0x1b: {  	s26 =	sadd.s32 $0x10, s26  }
0x1c: {  	[tilespmem:s26+$0x0] =	vst v1;
	v1 =	vld.idx.msk [tilespmem:v2+s3+$0x0], $0xffff  }
0x1d: {  	_ =	sdelay $0x2  }
0x1e: {  	s0 =	sadd.s32 $0x10, s26  }
0x1f: {  	[tilespmem:s0+$0x0] =	vst v1  }
0x20: {  	[tilespmem:s17], [sflag:$0x2] =	stream.strided.gather [hbm4b:s5+s13], $0x6400, s14, s13, $0x38;
	[tilespmem:$0x19D80] =	vst v63  }
0x21: {  	_ =	swait.ge [sflag:s18], $0x6400  }
0x22: {  	[sflag:s18] =	ssyncset.done $0x0  }
0x23: {  	s26 =	simm.s32 $0x0;
	[sflag:s18] =	ssyncadd.s32 $0xFFFF9C00  }
0x24: {  	v1 =	vld [tilespmem:s26+$0xD80];
	_ =	sdelay $0x4  }
0x25: {  	v1 =	vshll.u32 v1, $0x4  }
0x26: {  	v2 =	vld [tilespmem:s26+$0xD90];
	v1 =	vor.u32 v0, v1;
	_ =	sdelay $0x2  }
0x27: {  	s28 =	simm.s32 $0x80  }
0x28: {  	v4 =	vld [tilespmem:s28+$0xD80]  }
0x29: {  	v2 =	vshll.u32 v2, $0x4;
	v1 =	vld.idx.msk [tilespmem:v1+s19+$0x0], $0xffff  }
0x2a: {  	v3 =	vld [tilespmem:s26+$0xDA0];
	v2 =	vor.u32 v0, v2;
	_ =	sdelay $0x2  }
0x2b: {  	v4 =	vshll.u32 v4, $0x4  }
0x2c: {  	v5 =	vld [tilespmem:s28+$0xD90];
	v4 =	vor.u32 v0, v4;
	[tilespmem:s26+$0xD580] =	vst v1  }
0x2d: {  	v1 =	vld.idx.msk [tilespmem:v2+s19+$0x0], $0xffff;
	v2 =	vshll.u32 v3, $0x4  }
0x2e: {  	v3 =	vld [tilespmem:s26+$0xDB0];
	v2 =	vor.u32 v0, v2  }
0x2f: {  	s29 =	simm.s32 $0x100  }
0x30: {  	v7 =	vld [tilespmem:s29+$0xD80]  }
0x31: {  	v5 =	vshll.u32 v5, $0x4;
	v4 =	vld.idx.msk [tilespmem:v4+s19+$0x0], $0xffff  }
0x32: {  	v6 =	vld [tilespmem:s28+$0xDA0];
	v5 =	vor.u32 v0, v5;
	[tilespmem:s26+$0xD590] =	vst v1  }
0x33: {  	v1 =	vld.idx.msk [tilespmem:v2+s19+$0x0], $0xffff;
	v2 =	vshll.u32 v3, $0x4  }
0x34: {  	v3 =	vld [tilespmem:s26+$0xDC0];
	v2 =	vor.u32 v0, v2;
	_ =	sdelay $0x1  }
0x35: {  	v8 =	vld [tilespmem:s29+$0xD90];
	v7 =	vshll.u32 v7, $0x4;
	[tilespmem:s28+$0xD580] =	vst v4  }
0x36: {  	v7 =	vor.u32 v0, v7;
	v4 =	vld.idx.msk [tilespmem:v5+s19+$0x0], $0xffff;
	v5 =	vshll.u32 v6, $0x4  }
0x37: {  	v6 =	vld [tilespmem:s28+$0xDB0];
	v5 =	vor.u32 v0, v5;
	[tilespmem:s26+$0xD5A0] =	vst v1  }
0x38: {  	v1 =	vld.idx.msk [tilespmem:v2+s19+$0x0], $0xffff;
	v2 =	vshll.u32 v3, $0x4  }
0x39: {  	v3 =	vld [tilespmem:s26+$0xDD0];
	v2 =	vor.u32 v0, v2;
	_ =	sdelay $0x1  }
0x3a: {  	v8 =	vshll.u32 v8, $0x4;
	v7 =	vld.idx.msk [tilespmem:v7+s19+$0x0], $0xffff;
	[tilespmem:s28+$0xD590] =	vst v4  }
0x3b: {  	v8 =	vor.u32 v0, v8;
	v4 =	vld.idx.msk [tilespmem:v5+s19+$0x0], $0xffff;
	v5 =	vshll.u32 v6, $0x4  }
0x3c: {  	v6 =	vld [tilespmem:s28+$0xDC0];
	v5 =	vor.u32 v0, v5;
	[tilespmem:s26+$0xD5B0] =	vst v1  }
0x3d: {  	v1 =	vld.idx.msk [tilespmem:v2+s19+$0x0], $0xffff;
	v2 =	vshll.u32 v3, $0x4  }
0x3e: {  	v3 =	vld [tilespmem:s26+$0xDE0];
	v2 =	vor.u32 v0, v2  }
0x3f: {  	v9 =	vld [tilespmem:s29+$0xDA0];
	[tilespmem:s29+$0xD580] =	vst v7  }
0x40: {  	v7 =	vld.idx.msk [tilespmem:v8+s19+$0x0], $0xffff;
	[tilespmem:s28+$0xD5A0] =	vst v4  }
0x41: {  	v4 =	vld.idx.msk [tilespmem:v5+s19+$0x0], $0xffff  }
0x42: {  	v5 =	vshll.u32 v6, $0x4;
	v6 =	vld [tilespmem:s26+$0xDF0];
	[tilespmem:s26+$0xD5C0] =	vst v1  }
0x43: {  	s30 =	simm.s32 $0x180;
	v3 =	vshll.u32 v3, $0x4;
	v1 =	vld.idx.msk [tilespmem:v2+s19+$0x0], $0xffff  }
0x44: {  	v2 =	vld [tilespmem:s30+$0xD80];
	v3 =	vor.u32 v0, v3  }
0x45: {  	v8 =	vshll.u32 v9, $0x4;
	v9 =	vld [tilespmem:s28+$0xDD0];
	v5 =	vor.u32 v0, v5;
	_ =	sdelay $0x2  }
0x46: {  	v10 =	vld [tilespmem:s29+$0xDB0];
	[tilespmem:s26+$0xD5D0] =	vst v1  }
0x47: {  	v8 =	vor.u32 v0, v8;
	[tilespmem:s28+$0xD5B0] =	vst v4;
	v1 =	vshll.u32 v2, $0x4;
	v2 =	vld.idx.msk [tilespmem:v3+s19+$0x0], $0xffff;
	v3 =	vshll.u32 v6, $0x4  }
0x48: {  	v4 =	vld.idx.msk [tilespmem:v5+s19+$0x0], $0xffff;
	v5 =	vor.u32 v0, v3;
	v3 =	vshll.u32 v9, $0x4  }
0x49: {  	[tilespmem:s29+$0xD590] =	vst v7;
	v7 =	vor.u32 v0, v3  }
0x4a: {  	v11 =	vld [tilespmem:s30+$0xD90];
	v1 =	vor.u32 v0, v1  }
0x4b: {  	v12 =	vld [tilespmem:s28+$0xDE0]  }
0x4c: {  	v13 =	vld.idx.msk [tilespmem:v8+s19+$0x0], $0xffff  }
0x4d: {  	[tilespmem:s28+$0xD5C0] =	vst v4;
	v4 =	vshll.u32 v10, $0x4;
	v3 =	vld [tilespmem:s29+$0xDC0]  }
0x4e: {  	[tilespmem:s26+$0xD5E0] =	vst v2;
	v2 =	vld.idx.msk [tilespmem:v7+s19+$0x0], $0xffff;
	v7 =	vor.u32 v0, v4  }
0x4f: {  	v8 =	vshll.u32 v11, $0x4;
	v6 =	vld.idx.msk [tilespmem:v1+s19+$0x0], $0xffff  }
0x50: {  	v8 =	vor.u32 v0, v8;
	v1 =	vld.idx.msk [tilespmem:v5+s19+$0x0], $0xffff  }
0x51: {  	s31 =	simm.s32 $0x200;
	v5 =	vld [tilespmem:s30+$0xDA0]  }
0x52: {  	s0 =	simm.s32 $0xA00;
	[tilespmem:s29+$0xD5A0] =	vst v13;
	v9 =	vld [tilespmem:s31+$0xD80];
	v4 =	vshll.u32 v12, $0x4  }
.LBB2_4:
0x53: {  	p0 =	sne.s32 s0, $0x18E00;
	v7 =	vld.idx.msk [tilespmem:v7+s19+$0x0], $0xffff;
	v4 =	vor.u32 v0, v4  }
0x54: {  	v3 =	vshll.u32 v3, $0x4;
	[tilespmem:s30+$0xD580] =	vst v6;
	v6 =	vld [tilespmem:s28+$0xDF0]  }
0x55: {  	v3 =	vor.u32 v0, v3;
	v8 =	vld.idx.msk [tilespmem:v8+s19+$0x0], $0xffff;
	[tilespmem:s26+$0xD5F0] =	vst v1;
	s26 =	smov.u32 s28;
	s28 =	smov.u32 s29;
	s29 =	smov.u32 s30  }
0x56: {  	v1 =	vshll.u32 v5, $0x4;
	s30 =	smov.u32 s31;
	v5 =	vld [tilespmem:s28+$0xDD0]  }
0x57: {  	v1 =	vor.u32 v0, v1;
	v10 =	vld [tilespmem:s29+$0xDB0];
	[tilespmem:s26+$0xD5D0] =	vst v2  }
0x58: {  	v2 =	vshll.u32 v9, $0x4;
	v4 =	vld.idx.msk [tilespmem:v4+s19+$0x0], $0xffff  }
0x59: {  	v2 =	vor.u32 v0, v2;
	v9 =	vld [tilespmem:s30+$0xD90];
	[tilespmem:s28+$0xD5B0] =	vst v7;
	v6 =	vshll.u32 v6, $0x4  }
0x5a: {  	v11 =	vld.idx.msk [tilespmem:v3+s19+$0x0], $0xffff;
	v12 =	vor.u32 v0, v6  }
0x5b: {  	[tilespmem:s29+$0xD590] =	vst v8;
	v3 =	vshll.u32 v5, $0x4;
	v13 =	vld [tilespmem:s28+$0xDE0]  }
0x5c: {  	v14 =	vld.idx.msk [tilespmem:v1+s19+$0x0], $0xffff;
	v15 =	vor.u32 v0, v3  }
0x5d: {  	v1 =	vshll.u32 v10, $0x4;
	v3 =	vld [tilespmem:s29+$0xDC0]  }
.Ltmp1:
0x5e: {  	v7 =	vor.u32 v0, v1;
	v6 =	vld.idx.msk [tilespmem:v2+s19+$0x0], $0xffff;
	[tilespmem:s26+$0xD5E0] =	vst v4;
	(pc) =	sbr.rel @p0 .LBB2_4-.Ltmp1, $4  }
0x5f: {  	v2 =	vshll.u32 v9, $0x4;
	v1 =	vld.idx.msk [tilespmem:v12+s19+$0x0], $0xffff  }
0x60: {  	v8 =	vor.u32 v0, v2;
	v5 =	vld [tilespmem:s30+$0xDA0];
	[tilespmem:s28+$0xD5C0] =	vst v11  }
0x61: {  	s31 =	sshra.s32 s0, $0x2;
	v2 =	vld.idx.msk [tilespmem:v15+s19+$0x0], $0xffff  }
0x62: {  	s0 =	sadd.s32 $0x200, s0;
	v4 =	vshll.u32 v13, $0x4;
	v9 =	vld [tilespmem:s31+$0xD80];
	[tilespmem:s29+$0xD5A0] =	vst v14  }
0x63: {  	_ =	sdelay $0x3  }
0x64: {  	v9 =	vshll.u32 v9, $0x4  }
0x65: {  	v10 =	vld [tilespmem:s31+$0xD90];
	v9 =	vor.u32 v0, v9;
	_ =	sdelay $0x4  }
0x66: {  	v10 =	vshll.u32 v10, $0x4;
	v9 =	vld.idx.msk [tilespmem:v9+s19+$0x0], $0xffff  }
0x67: {  	v11 =	vld [tilespmem:s31+$0xDA0];
	v10 =	vor.u32 v0, v10  }
0x68: {  	[tilespmem:s30+$0xD580] =	vst v6  }
0x69: {  	v6 =	vld.idx.msk [tilespmem:v8+s19+$0x0], $0xffff;
	v5 =	vshll.u32 v5, $0x4  }
0x6a: {  	v8 =	vld [tilespmem:s30+$0xDB0];
	v5 =	vor.u32 v0, v5  }
0x6b: {  	[tilespmem:s31+$0xD580] =	vst v9  }
0x6c: {  	v9 =	vld.idx.msk [tilespmem:v10+s19+$0x0], $0xffff;
	v10 =	vshll.u32 v11, $0x4  }
0x6d: {  	v11 =	vld [tilespmem:s31+$0xDB0];
	v10 =	vor.u32 v0, v10  }
0x6e: {  	[tilespmem:s30+$0xD590] =	vst v6  }
0x6f: {  	v6 =	vshll.u32 v8, $0x4;
	v5 =	vld.idx.msk [tilespmem:v5+s19+$0x0], $0xffff  }
0x70: {  	v8 =	vld [tilespmem:s30+$0xDC0];
	v6 =	vor.u32 v0, v6  }
0x71: {  	v7 =	vld.idx.msk [tilespmem:v7+s19+$0x0], $0xffff;
	[tilespmem:s31+$0xD590] =	vst v9  }
0x72: {  	v9 =	vld.idx.msk [tilespmem:v10+s19+$0x0], $0xffff;
	v10 =	vshll.u32 v11, $0x4  }
0x73: {  	v11 =	vld [tilespmem:s31+$0xDC0];
	v10 =	vor.u32 v0, v10  }
0x74: {  	v3 =	vshll.u32 v3, $0x4;
	v12 =	vld [tilespmem:s28+$0xDF0];
	[tilespmem:s30+$0xD5A0] =	vst v5  }
0x75: {  	v3 =	vor.u32 v0, v3;
	v5 =	vld.idx.msk [tilespmem:v6+s19+$0x0], $0xffff;
	v6 =	vshll.u32 v8, $0x4  }
0x76: {  	v8 =	vld [tilespmem:s30+$0xDD0];
	v6 =	vor.u32 v0, v6  }
0x77: {  	v13 =	vld [tilespmem:s29+$0xDD0];
	[tilespmem:s31+$0xD5A0] =	vst v9  }
0x78: {  	v9 =	vld.idx.msk [tilespmem:v10+s19+$0x0], $0xffff;
	v10 =	vshll.u32 v11, $0x4  }
0x79: {  	[tilespmem:s29+$0xD5B0] =	vst v7;
	v7 =	vor.u32 v0, v10;
	v10 =	vld [tilespmem:s31+$0xDD0]  }
0x7a: {  	v3 =	vld.idx.msk [tilespmem:v3+s19+$0x0], $0xffff;
	[tilespmem:s30+$0xD5B0] =	vst v5  }
0x7b: {  	v5 =	vld.idx.msk [tilespmem:v6+s19+$0x0], $0xffff;
	v6 =	vshll.u32 v8, $0x4  }
0x7c: {  	v60 =	vld [tilespmem:s29+$0xDE0];
	v6 =	vor.u32 v0, v6;
	v11 =	vshll.u32 v13, $0x4  }
0x7d: {  	v8 =	vld [tilespmem:s30+$0xDE0];
	v11 =	vor.u32 v0, v11;
	[tilespmem:s31+$0xD5B0] =	vst v9  }
0x7e: {  	v7 =	vld.idx.msk [tilespmem:v7+s19+$0x0], $0xffff;
	v9 =	vshll.u32 v10, $0x4  }
0x7f: {  	[tilespmem:s29+$0xD5C0] =	vst v3;
	v3 =	vld [tilespmem:s31+$0xDE0];
	v9 =	vor.u32 v0, v9  }
0x80: {  	v61 =	vld [tilespmem:s30+$0xDF0];
	[tilespmem:s30+$0xD5C0] =	vst v5  }
0x81: {  	v6 =	vld.idx.msk [tilespmem:v6+s19+$0x0], $0xffff  }
0x82: {  	v4 =	vor.u32 v0, v4;
	v5 =	vshll.u32 v60, $0x4;
	v10 =	vld.idx.msk [tilespmem:v11+s19+$0x0], $0xffff  }
0x83: {  	v8 =	vshll.u32 v8, $0x4;
	v5 =	vor.u32 v0, v5;
	v11 =	vld [tilespmem:s29+$0xDF0];
	[tilespmem:s31+$0xD5C0] =	vst v7  }
0x84: {  	v3 =	vshll.u32 v3, $0x4;
	v7 =	vor.u32 v0, v8;
	v8 =	vld.idx.msk [tilespmem:v9+s19+$0x0], $0xffff  }
0x85: {  	v3 =	vor.u32 v0, v3;
	v9 =	vld [tilespmem:s31+$0xDF0]  }
0x86: {  	[tilespmem:s28+$0xD5D0] =	vst v2  }
0x87: {  	v2 =	vld.idx.msk [tilespmem:v4+s19+$0x0], $0xffff;
	v4 =	vshll.u32 v12, $0x4;
	[tilespmem:s29+$0xD5D0] =	vst v10  }
0x88: {  	v4 =	vor.u32 v0, v4;
	[tilespmem:s30+$0xD5D0] =	vst v6;
	v6 =	vshll.u32 v11, $0x4;
	v5 =	vld.idx.msk [tilespmem:v5+s19+$0x0], $0xffff  }
0x89: {  	v10 =	vshll.u32 v61, $0x4;
	v6 =	vor.u32 v0, v6;
	v7 =	vld.idx.msk [tilespmem:v7+s19+$0x0], $0xffff;
	[tilespmem:s31+$0xD5D0] =	vst v8  }
0x8a: {  	v8 =	vor.u32 v0, v10;
	v9 =	vshll.u32 v9, $0x4;
	v3 =	vld.idx.msk [tilespmem:v3+s19+$0x0], $0xffff  }
0x8b: {  	v9 =	vor.u32 v0, v9  }
0x8c: {  	[tilespmem:s28+$0xD5E0] =	vst v2  }
0x8d: {  	v2 =	vld.idx.msk [tilespmem:v4+s19+$0x0], $0xffff;
	[tilespmem:s29+$0xD5E0] =	vst v5  }
0x8e: {  	v4 =	vld.idx.msk [tilespmem:v6+s19+$0x0], $0xffff;
	[tilespmem:s30+$0xD5E0] =	vst v7  }
0x8f: {  	v5 =	vld.idx.msk [tilespmem:v8+s19+$0x0], $0xffff;
	[tilespmem:s31+$0xD5E0] =	vst v3  }
0x90: {  	v3 =	vld.idx.msk [tilespmem:v9+s19+$0x0], $0xffff  }
0x91: {  	[tilespmem:s26+$0xD5F0] =	vst v1  }
0x92: {  	[tilespmem:s28+$0xD5F0] =	vst v2  }
0x93: {  	[tilespmem:s29+$0xD5F0] =	vst v4  }
0x94: {  	[tilespmem:s30+$0xD5F0] =	vst v5  }
0x95: {  	[tilespmem:s31+$0xD5F0] =	vst v3  }
0x96: {  	[hbm4b:s6+s13] =	stream.strided.scatter [tilespmem:s20], [sflag:$0x3], $0x6400, s14, s13, $0x38;
	[tilespmem:$0x19D80] =	vst v63  }
0x97: {  	_ = 	snop  }
0x98: {  	[tilespmem:s15], [sflag:$0x1] =	stream.strided.gather [hbm4b:s7+s13], $0x6400, s14, s13, $0x38;
	[tilespmem:$0x19D80] =	vst v63  }
0x99: {  	_ =	swait.ge [sflag:s21], $0x6400  }
0x9a: {  	[sflag:s21] =	ssyncset.done $0x0  }
0x9b: {  	s26 =	simm.s32 $0x0;
	[sflag:s21] =	ssyncadd.s32 $0xFFFF9C00  }
0x9c: {  	v1 =	vld [tilespmem:s26+$0x7180];
	_ =	sdelay $0x4  }
0x9d: {  	v1 =	vshll.u32 v1, $0x4  }
0x9e: {  	v2 =	vld [tilespmem:s26+$0x7190];
	v1 =	vor.u32 v0, v1;
	_ =	sdelay $0x2  }
0x9f: {  	s28 =	simm.s32 $0x80  }
0xa0: {  	v4 =	vld [tilespmem:s28+$0x7180]  }
0xa1: {  	v2 =	vshll.u32 v2, $0x4;
	v1 =	vld.idx.msk [tilespmem:v1+s19+$0x0], $0xffff  }
0xa2: {  	v3 =	vld [tilespmem:s26+$0x71A0];
	v2 =	vor.u32 v0, v2;
	_ =	sdelay $0x2  }
0xa3: {  	v4 =	vshll.u32 v4, $0x4  }
0xa4: {  	v5 =	vld [tilespmem:s28+$0x7190];
	v4 =	vor.u32 v0, v4;
	[tilespmem:s26+$0x13980] =	vst v1  }
0xa5: {  	v1 =	vld.idx.msk [tilespmem:v2+s19+$0x0], $0xffff;
	v2 =	vshll.u32 v3, $0x4  }
0xa6: {  	v3 =	vld [tilespmem:s26+$0x71B0];
	v2 =	vor.u32 v0, v2  }
0xa7: {  	s29 =	simm.s32 $0x100  }
0xa8: {  	v7 =	vld [tilespmem:s29+$0x7180]  }
0xa9: {  	v5 =	vshll.u32 v5, $0x4;
	v4 =	vld.idx.msk [tilespmem:v4+s19+$0x0], $0xffff  }
0xaa: {  	v6 =	vld [tilespmem:s28+$0x71A0];
	v5 =	vor.u32 v0, v5;
	[tilespmem:s26+$0x13990] =	vst v1  }
0xab: {  	v1 =	vld.idx.msk [tilespmem:v2+s19+$0x0], $0xffff;
	v2 =	vshll.u32 v3, $0x4  }
0xac: {  	v3 =	vld [tilespmem:s26+$0x71C0];
	v2 =	vor.u32 v0, v2;
	_ =	sdelay $0x1  }
0xad: {  	v8 =	vld [tilespmem:s29+$0x7190];
	v7 =	vshll.u32 v7, $0x4;
	[tilespmem:s28+$0x13980] =	vst v4  }
0xae: {  	v7 =	vor.u32 v0, v7;
	v4 =	vld.idx.msk [tilespmem:v5+s19+$0x0], $0xffff;
	v5 =	vshll.u32 v6, $0x4  }
0xaf: {  	v6 =	vld [tilespmem:s28+$0x71B0];
	v5 =	vor.u32 v0, v5;
	[tilespmem:s26+$0x139A0] =	vst v1  }
0xb0: {  	v1 =	vld.idx.msk [tilespmem:v2+s19+$0x0], $0xffff;
	v2 =	vshll.u32 v3, $0x4  }
0xb1: {  	v3 =	vld [tilespmem:s26+$0x71D0];
	v2 =	vor.u32 v0, v2;
	_ =	sdelay $0x1  }
0xb2: {  	v8 =	vshll.u32 v8, $0x4;
	v7 =	vld.idx.msk [tilespmem:v7+s19+$0x0], $0xffff;
	[tilespmem:s28+$0x13990] =	vst v4  }
0xb3: {  	v8 =	vor.u32 v0, v8;
	v4 =	vld.idx.msk [tilespmem:v5+s19+$0x0], $0xffff;
	v5 =	vshll.u32 v6, $0x4  }
0xb4: {  	v6 =	vld [tilespmem:s28+$0x71C0];
	v5 =	vor.u32 v0, v5;
	[tilespmem:s26+$0x139B0] =	vst v1  }
0xb5: {  	v1 =	vld.idx.msk [tilespmem:v2+s19+$0x0], $0xffff;
	v2 =	vshll.u32 v3, $0x4  }
0xb6: {  	v3 =	vld [tilespmem:s26+$0x71E0];
	v2 =	vor.u32 v0, v2  }
0xb7: {  	v9 =	vld [tilespmem:s29+$0x71A0];
	[tilespmem:s29+$0x13980] =	vst v7  }
0xb8: {  	v7 =	vld.idx.msk [tilespmem:v8+s19+$0x0], $0xffff;
	[tilespmem:s28+$0x139A0] =	vst v4  }
0xb9: {  	v4 =	vld.idx.msk [tilespmem:v5+s19+$0x0], $0xffff  }
0xba: {  	v5 =	vshll.u32 v6, $0x4;
	v6 =	vld [tilespmem:s26+$0x71F0];
	[tilespmem:s26+$0x139C0] =	vst v1  }
0xbb: {  	s30 =	simm.s32 $0x180;
	v3 =	vshll.u32 v3, $0x4;
	v1 =	vld.idx.msk [tilespmem:v2+s19+$0x0], $0xffff  }
0xbc: {  	v2 =	vld [tilespmem:s30+$0x7180];
	v3 =	vor.u32 v0, v3  }
0xbd: {  	v8 =	vshll.u32 v9, $0x4;
	v9 =	vld [tilespmem:s28+$0x71D0];
	v5 =	vor.u32 v0, v5;
	_ =	sdelay $0x2  }
0xbe: {  	v10 =	vld [tilespmem:s29+$0x71B0];
	[tilespmem:s26+$0x139D0] =	vst v1  }
0xbf: {  	v8 =	vor.u32 v0, v8;
	[tilespmem:s28+$0x139B0] =	vst v4;
	v1 =	vshll.u32 v2, $0x4;
	v2 =	vld.idx.msk [tilespmem:v3+s19+$0x0], $0xffff;
	v3 =	vshll.u32 v6, $0x4  }
0xc0: {  	v4 =	vld.idx.msk [tilespmem:v5+s19+$0x0], $0xffff;
	v5 =	vor.u32 v0, v3;
	v3 =	vshll.u32 v9, $0x4  }
0xc1: {  	[tilespmem:s29+$0x13990] =	vst v7;
	v7 =	vor.u32 v0, v3  }
0xc2: {  	v11 =	vld [tilespmem:s30+$0x7190];
	v1 =	vor.u32 v0, v1  }
0xc3: {  	v62 =	vld [tilespmem:s28+$0x71E0]  }
0xc4: {  	v63 =	vld.idx.msk [tilespmem:v8+s19+$0x0], $0xffff  }
0xc5: {  	[tilespmem:s28+$0x139C0] =	vst v4;
	v4 =	vshll.u32 v10, $0x4;
	v3 =	vld [tilespmem:s29+$0x71C0]  }
0xc6: {  	[tilespmem:s26+$0x139E0] =	vst v2;
	v2 =	vld.idx.msk [tilespmem:v7+s19+$0x0], $0xffff;
	v7 =	vor.u32 v0, v4  }
0xc7: {  	v8 =	vshll.u32 v11, $0x4;
	v6 =	vld.idx.msk [tilespmem:v1+s19+$0x0], $0xffff  }
0xc8: {  	v8 =	vor.u32 v0, v8;
	v1 =	vld.idx.msk [tilespmem:v5+s19+$0x0], $0xffff  }
0xc9: {  	s31 =	simm.s32 $0x200;
	v5 =	vld [tilespmem:s30+$0x71A0]  }
0xca: {  	s0 =	simm.s32 $0xA00;
	[tilespmem:s29+$0x139A0] =	vst v63;
	v9 =	vld [tilespmem:s31+$0x7180];
	v4 =	vshll.u32 v62, $0x4  }
.LBB2_6:
0xcb: {  	p0 =	sne.s32 s0, $0x18E00;
	v7 =	vld.idx.msk [tilespmem:v7+s19+$0x0], $0xffff;
	v4 =	vor.u32 v0, v4  }
0xcc: {  	v3 =	vshll.u32 v3, $0x4;
	[tilespmem:s30+$0x13980] =	vst v6;
	v6 =	vld [tilespmem:s28+$0x71F0]  }
0xcd: {  	v3 =	vor.u32 v0, v3;
	v8 =	vld.idx.msk [tilespmem:v8+s19+$0x0], $0xffff;
	[tilespmem:s26+$0x139F0] =	vst v1;
	s26 =	smov.u32 s28;
	s28 =	smov.u32 s29;
	s29 =	smov.u32 s30  }
0xce: {  	v1 =	vshll.u32 v5, $0x4;
	s30 =	smov.u32 s31;
	v5 =	vld [tilespmem:s28+$0x71D0]  }
0xcf: {  	v1 =	vor.u32 v0, v1;
	v10 =	vld [tilespmem:s29+$0x71B0];
	[tilespmem:s26+$0x139D0] =	vst v2  }
0xd0: {  	v2 =	vshll.u32 v9, $0x4;
	v4 =	vld.idx.msk [tilespmem:v4+s19+$0x0], $0xffff  }
0xd1: {  	v2 =	vor.u32 v0, v2;
	v9 =	vld [tilespmem:s30+$0x7190];
	[tilespmem:s28+$0x139B0] =	vst v7;
	v6 =	vshll.u32 v6, $0x4  }
0xd2: {  	v11 =	vld.idx.msk [tilespmem:v3+s19+$0x0], $0xffff;
	v12 =	vor.u32 v0, v6  }
0xd3: {  	[tilespmem:s29+$0x13990] =	vst v8;
	v3 =	vshll.u32 v5, $0x4;
	v13 =	vld [tilespmem:s28+$0x71E0]  }
0xd4: {  	v14 =	vld.idx.msk [tilespmem:v1+s19+$0x0], $0xffff;
	v15 =	vor.u32 v0, v3  }
0xd5: {  	v1 =	vshll.u32 v10, $0x4;
	v3 =	vld [tilespmem:s29+$0x71C0]  }
.Ltmp2:
0xd6: {  	v7 =	vor.u32 v0, v1;
	v6 =	vld.idx.msk [tilespmem:v2+s19+$0x0], $0xffff;
	[tilespmem:s26+$0x139E0] =	vst v4;
	(pc) =	sbr.rel @p0 .LBB2_6-.Ltmp2, $4  }
0xd7: {  	v2 =	vshll.u32 v9, $0x4;
	v1 =	vld.idx.msk [tilespmem:v12+s19+$0x0], $0xffff  }
0xd8: {  	v8 =	vor.u32 v0, v2;
	v5 =	vld [tilespmem:s30+$0x71A0];
	[tilespmem:s28+$0x139C0] =	vst v11  }
0xd9: {  	s31 =	sshra.s32 s0, $0x2;
	v2 =	vld.idx.msk [tilespmem:v15+s19+$0x0], $0xffff  }
0xda: {  	s0 =	sadd.s32 $0x200, s0;
	v4 =	vshll.u32 v13, $0x4;
	v9 =	vld [tilespmem:s31+$0x7180];
	[tilespmem:s29+$0x139A0] =	vst v14  }
0xdb: {  	_ =	sdelay $0x3  }
0xdc: {  	v9 =	vshll.u32 v9, $0x4  }
0xdd: {  	v10 =	vld [tilespmem:s31+$0x7190];
	v9 =	vor.u32 v0, v9;
	_ =	sdelay $0x4  }
0xde: {  	v10 =	vshll.u32 v10, $0x4;
	v9 =	vld.idx.msk [tilespmem:v9+s19+$0x0], $0xffff  }
0xdf: {  	v11 =	vld [tilespmem:s31+$0x71A0];
	v10 =	vor.u32 v0, v10  }
0xe0: {  	[tilespmem:s30+$0x13980] =	vst v6  }
0xe1: {  	v6 =	vld.idx.msk [tilespmem:v8+s19+$0x0], $0xffff;
	v5 =	vshll.u32 v5, $0x4  }
0xe2: {  	v8 =	vld [tilespmem:s30+$0x71B0];
	v5 =	vor.u32 v0, v5  }
0xe3: {  	[tilespmem:s31+$0x13980] =	vst v9  }
0xe4: {  	v9 =	vld.idx.msk [tilespmem:v10+s19+$0x0], $0xffff;
	v10 =	vshll.u32 v11, $0x4  }
0xe5: {  	v11 =	vld [tilespmem:s31+$0x71B0];
	v10 =	vor.u32 v0, v10  }
0xe6: {  	[tilespmem:s30+$0x13990] =	vst v6  }
0xe7: {  	v6 =	vshll.u32 v8, $0x4;
	v5 =	vld.idx.msk [tilespmem:v5+s19+$0x0], $0xffff  }
0xe8: {  	v8 =	vld [tilespmem:s30+$0x71C0];
	v6 =	vor.u32 v0, v6  }
0xe9: {  	v7 =	vld.idx.msk [tilespmem:v7+s19+$0x0], $0xffff;
	[tilespmem:s31+$0x13990] =	vst v9  }
0xea: {  	v9 =	vld.idx.msk [tilespmem:v10+s19+$0x0], $0xffff;
	v10 =	vshll.u32 v11, $0x4  }
0xeb: {  	v11 =	vld [tilespmem:s31+$0x71C0];
	v10 =	vor.u32 v0, v10  }
0xec: {  	v3 =	vshll.u32 v3, $0x4;
	v12 =	vld [tilespmem:s28+$0x71F0];
	[tilespmem:s30+$0x139A0] =	vst v5  }
0xed: {  	v3 =	vor.u32 v0, v3;
	v5 =	vld.idx.msk [tilespmem:v6+s19+$0x0], $0xffff;
	v6 =	vshll.u32 v8, $0x4  }
0xee: {  	v8 =	vld [tilespmem:s30+$0x71D0];
	v6 =	vor.u32 v0, v6  }
0xef: {  	v13 =	vld [tilespmem:s29+$0x71D0];
	[tilespmem:s31+$0x139A0] =	vst v9  }
0xf0: {  	v9 =	vld.idx.msk [tilespmem:v10+s19+$0x0], $0xffff;
	v10 =	vshll.u32 v11, $0x4  }
0xf1: {  	[tilespmem:s29+$0x139B0] =	vst v7;
	v7 =	vor.u32 v0, v10;
	v10 =	vld [tilespmem:s31+$0x71D0]  }
0xf2: {  	v3 =	vld.idx.msk [tilespmem:v3+s19+$0x0], $0xffff;
	[tilespmem:s30+$0x139B0] =	vst v5  }
0xf3: {  	v5 =	vld.idx.msk [tilespmem:v6+s19+$0x0], $0xffff;
	v6 =	vshll.u32 v8, $0x4  }
0xf4: {  	v60 =	vld [tilespmem:s29+$0x71E0];
	v6 =	vor.u32 v0, v6;
	v11 =	vshll.u32 v13, $0x4  }
0xf5: {  	v8 =	vld [tilespmem:s30+$0x71E0];
	v11 =	vor.u32 v0, v11;
	[tilespmem:s31+$0x139B0] =	vst v9  }
0xf6: {  	v7 =	vld.idx.msk [tilespmem:v7+s19+$0x0], $0xffff;
	v9 =	vshll.u32 v10, $0x4  }
0xf7: {  	[tilespmem:s29+$0x139C0] =	vst v3;
	v3 =	vld [tilespmem:s31+$0x71E0];
	v9 =	vor.u32 v0, v9  }
0xf8: {  	v61 =	vld [tilespmem:s30+$0x71F0];
	[tilespmem:s30+$0x139C0] =	vst v5  }
0xf9: {  	v6 =	vld.idx.msk [tilespmem:v6+s19+$0x0], $0xffff  }
0xfa: {  	v4 =	vor.u32 v0, v4;
	v5 =	vshll.u32 v60, $0x4;
	v10 =	vld.idx.msk [tilespmem:v11+s19+$0x0], $0xffff  }
0xfb: {  	v8 =	vshll.u32 v8, $0x4;
	v5 =	vor.u32 v0, v5;
	v11 =	vld [tilespmem:s29+$0x71F0];
	[tilespmem:s31+$0x139C0] =	vst v7  }
0xfc: {  	v3 =	vshll.u32 v3, $0x4;
	v7 =	vor.u32 v0, v8;
	v8 =	vld.idx.msk [tilespmem:v9+s19+$0x0], $0xffff  }
0xfd: {  	v3 =	vor.u32 v0, v3;
	v9 =	vld [tilespmem:s31+$0x71F0]  }
0xfe: {  	[tilespmem:s28+$0x139D0] =	vst v2  }
0xff: {  	v2 =	vld.idx.msk [tilespmem:v4+s19+$0x0], $0xffff;
	v4 =	vshll.u32 v12, $0x4;
	[tilespmem:s29+$0x139D0] =	vst v10  }
0x100: {  	v4 =	vor.u32 v0, v4;
	[tilespmem:s30+$0x139D0] =	vst v6;
	v6 =	vshll.u32 v11, $0x4;
	v5 =	vld.idx.msk [tilespmem:v5+s19+$0x0], $0xffff  }
0x101: {  	v10 =	vshll.u32 v61, $0x4;
	v6 =	vor.u32 v0, v6;
	v7 =	vld.idx.msk [tilespmem:v7+s19+$0x0], $0xffff;
	[tilespmem:s31+$0x139D0] =	vst v8  }
0x102: {  	v8 =	vor.u32 v0, v10;
	v9 =	vshll.u32 v9, $0x4;
	v3 =	vld.idx.msk [tilespmem:v3+s19+$0x0], $0xffff  }
0x103: {  	v9 =	vor.u32 v0, v9  }
0x104: {  	[tilespmem:s28+$0x139E0] =	vst v2  }
0x105: {  	v2 =	vld.idx.msk [tilespmem:v4+s19+$0x0], $0xffff;
	[tilespmem:s29+$0x139E0] =	vst v5  }
0x106: {  	v4 =	vld.idx.msk [tilespmem:v6+s19+$0x0], $0xffff;
	[tilespmem:s30+$0x139E0] =	vst v7  }
0x107: {  	v5 =	vld.idx.msk [tilespmem:v8+s19+$0x0], $0xffff;
	[tilespmem:s31+$0x139E0] =	vst v3  }
0x108: {  	v3 =	vld.idx.msk [tilespmem:v9+s19+$0x0], $0xffff  }
0x109: {  	[tilespmem:s26+$0x139F0] =	vst v1  }
0x10a: {  	[tilespmem:s28+$0x139F0] =	vst v2  }
0x10b: {  	[tilespmem:s29+$0x139F0] =	vst v4  }
0x10c: {  	[tilespmem:s30+$0x139F0] =	vst v5  }
0x10d: {  	[tilespmem:s31+$0x139F0] =	vst v3  }
0x10e: {  	[hbm4b:s8+s13] =	stream.strided.scatter [tilespmem:s22], [sflag:$0x4], $0x6400, s14, s13, $0x38;
	[tilespmem:$0x19D80] =	vst v63  }
0x10f: {  	_ = 	snop  }
0x110: {  	[tilespmem:s17], [sflag:$0x2] =	stream.strided.gather [hbm4b:s9+s13], $0x6400, s14, s13, $0x38;
	[tilespmem:$0x19D80] =	vst v63  }
0x111: {  	_ =	swait.ge [sflag:s18], $0x6400  }
0x112: {  	[sflag:s18] =	ssyncset.done $0x0  }
0x113: {  	[sflag:s18] =	ssyncadd.s32 $0xFFFF9C00  }
0x114: {  	_ =	swait.ge [sflag:s23], $0x6400  }
0x115: {  	[sflag:s23] =	ssyncset.done $0x0  }
0x116: {  	s26 =	simm.s32 $0x0;
	[sflag:s23] =	ssyncadd.s32 $0xFFFF9C00  }
0x117: {  	v1 =	vld [tilespmem:s26+$0xD80];
	_ =	sdelay $0x4  }
0x118: {  	v1 =	vshll.u32 v1, $0x4  }
0x119: {  	v2 =	vld [tilespmem:s26+$0xD90];
	v1 =	vor.u32 v0, v1;
	_ =	sdelay $0x2  }
0x11a: {  	s28 =	simm.s32 $0x80  }
0x11b: {  	v4 =	vld [tilespmem:s28+$0xD80]  }
0x11c: {  	v2 =	vshll.u32 v2, $0x4;
	v1 =	vld.idx.msk [tilespmem:v1+s19+$0x0], $0xffff  }
0x11d: {  	v3 =	vld [tilespmem:s26+$0xDA0];
	v2 =	vor.u32 v0, v2;
	_ =	sdelay $0x2  }
0x11e: {  	v4 =	vshll.u32 v4, $0x4  }
0x11f: {  	v5 =	vld [tilespmem:s28+$0xD90];
	v4 =	vor.u32 v0, v4;
	[tilespmem:s26+$0xD580] =	vst v1  }
0x120: {  	v1 =	vld.idx.msk [tilespmem:v2+s19+$0x0], $0xffff;
	v2 =	vshll.u32 v3, $0x4  }
0x121: {  	v3 =	vld [tilespmem:s26+$0xDB0];
	v2 =	vor.u32 v0, v2  }
0x122: {  	s29 =	simm.s32 $0x100  }
0x123: {  	v7 =	vld [tilespmem:s29+$0xD80]  }
0x124: {  	v5 =	vshll.u32 v5, $0x4;
	v4 =	vld.idx.msk [tilespmem:v4+s19+$0x0], $0xffff  }
0x125: {  	v6 =	vld [tilespmem:s28+$0xDA0];
	v5 =	vor.u32 v0, v5;
	[tilespmem:s26+$0xD590] =	vst v1  }
0x126: {  	v1 =	vld.idx.msk [tilespmem:v2+s19+$0x0], $0xffff;
	v2 =	vshll.u32 v3, $0x4  }
0x127: {  	v3 =	vld [tilespmem:s26+$0xDC0];
	v2 =	vor.u32 v0, v2;
	_ =	sdelay $0x1  }
0x128: {  	v8 =	vld [tilespmem:s29+$0xD90];
	v7 =	vshll.u32 v7, $0x4;
	[tilespmem:s28+$0xD580] =	vst v4  }
0x129: {  	v7 =	vor.u32 v0, v7;
	v4 =	vld.idx.msk [tilespmem:v5+s19+$0x0], $0xffff;
	v5 =	vshll.u32 v6, $0x4  }
0x12a: {  	v6 =	vld [tilespmem:s28+$0xDB0];
	v5 =	vor.u32 v0, v5;
	[tilespmem:s26+$0xD5A0] =	vst v1  }
0x12b: {  	v1 =	vld.idx.msk [tilespmem:v2+s19+$0x0], $0xffff;
	v2 =	vshll.u32 v3, $0x4  }
0x12c: {  	v3 =	vld [tilespmem:s26+$0xDD0];
	v2 =	vor.u32 v0, v2;
	_ =	sdelay $0x1  }
0x12d: {  	v8 =	vshll.u32 v8, $0x4;
	v7 =	vld.idx.msk [tilespmem:v7+s19+$0x0], $0xffff;
	[tilespmem:s28+$0xD590] =	vst v4  }
0x12e: {  	v8 =	vor.u32 v0, v8;
	v4 =	vld.idx.msk [tilespmem:v5+s19+$0x0], $0xffff;
	v5 =	vshll.u32 v6, $0x4  }
0x12f: {  	v6 =	vld [tilespmem:s28+$0xDC0];
	v5 =	vor.u32 v0, v5;
	[tilespmem:s26+$0xD5B0] =	vst v1  }
0x130: {  	v1 =	vld.idx.msk [tilespmem:v2+s19+$0x0], $0xffff;
	v2 =	vshll.u32 v3, $0x4  }
0x131: {  	v3 =	vld [tilespmem:s26+$0xDE0];
	v2 =	vor.u32 v0, v2  }
0x132: {  	v9 =	vld [tilespmem:s29+$0xDA0];
	[tilespmem:s29+$0xD580] =	vst v7  }
0x133: {  	v7 =	vld.idx.msk [tilespmem:v8+s19+$0x0], $0xffff;
	[tilespmem:s28+$0xD5A0] =	vst v4  }
0x134: {  	v4 =	vld.idx.msk [tilespmem:v5+s19+$0x0], $0xffff  }
0x135: {  	v5 =	vshll.u32 v6, $0x4;
	v6 =	vld [tilespmem:s26+$0xDF0];
	[tilespmem:s26+$0xD5C0] =	vst v1  }
0x136: {  	s30 =	simm.s32 $0x180;
	v3 =	vshll.u32 v3, $0x4;
	v1 =	vld.idx.msk [tilespmem:v2+s19+$0x0], $0xffff  }
0x137: {  	v2 =	vld [tilespmem:s30+$0xD80];
	v3 =	vor.u32 v0, v3  }
0x138: {  	v8 =	vshll.u32 v9, $0x4;
	v9 =	vld [tilespmem:s28+$0xDD0];
	v5 =	vor.u32 v0, v5;
	_ =	sdelay $0x2  }
0x139: {  	v10 =	vld [tilespmem:s29+$0xDB0];
	[tilespmem:s26+$0xD5D0] =	vst v1  }
0x13a: {  	v8 =	vor.u32 v0, v8;
	[tilespmem:s28+$0xD5B0] =	vst v4;
	v1 =	vshll.u32 v2, $0x4;
	v2 =	vld.idx.msk [tilespmem:v3+s19+$0x0], $0xffff;
	v3 =	vshll.u32 v6, $0x4  }
0x13b: {  	v4 =	vld.idx.msk [tilespmem:v5+s19+$0x0], $0xffff;
	v5 =	vor.u32 v0, v3;
	v3 =	vshll.u32 v9, $0x4  }
0x13c: {  	[tilespmem:s29+$0xD590] =	vst v7;
	v7 =	vor.u32 v0, v3  }
0x13d: {  	v11 =	vld [tilespmem:s30+$0xD90];
	v1 =	vor.u32 v0, v1  }
0x13e: {  	v62 =	vld [tilespmem:s28+$0xDE0]  }
0x13f: {  	v63 =	vld.idx.msk [tilespmem:v8+s19+$0x0], $0xffff  }
0x140: {  	[tilespmem:s28+$0xD5C0] =	vst v4;
	v4 =	vshll.u32 v10, $0x4;
	v3 =	vld [tilespmem:s29+$0xDC0]  }
0x141: {  	[tilespmem:s26+$0xD5E0] =	vst v2;
	v2 =	vld.idx.msk [tilespmem:v7+s19+$0x0], $0xffff;
	v7 =	vor.u32 v0, v4  }
0x142: {  	v8 =	vshll.u32 v11, $0x4;
	v6 =	vld.idx.msk [tilespmem:v1+s19+$0x0], $0xffff  }
0x143: {  	v8 =	vor.u32 v0, v8;
	v1 =	vld.idx.msk [tilespmem:v5+s19+$0x0], $0xffff  }
0x144: {  	s31 =	simm.s32 $0x200;
	v5 =	vld [tilespmem:s30+$0xDA0]  }
0x145: {  	s0 =	simm.s32 $0xA00;
	[tilespmem:s29+$0xD5A0] =	vst v63;
	v9 =	vld [tilespmem:s31+$0xD80];
	v4 =	vshll.u32 v62, $0x4  }
.LBB2_8:
0x146: {  	p0 =	sne.s32 s0, $0x18E00;
	v7 =	vld.idx.msk [tilespmem:v7+s19+$0x0], $0xffff;
	v4 =	vor.u32 v0, v4  }
0x147: {  	v3 =	vshll.u32 v3, $0x4;
	[tilespmem:s30+$0xD580] =	vst v6;
	v6 =	vld [tilespmem:s28+$0xDF0]  }
0x148: {  	v3 =	vor.u32 v0, v3;
	v8 =	vld.idx.msk [tilespmem:v8+s19+$0x0], $0xffff;
	[tilespmem:s26+$0xD5F0] =	vst v1;
	s26 =	smov.u32 s28;
	s28 =	smov.u32 s29;
	s29 =	smov.u32 s30  }
0x149: {  	v1 =	vshll.u32 v5, $0x4;
	s30 =	smov.u32 s31;
	v5 =	vld [tilespmem:s28+$0xDD0]  }
0x14a: {  	v1 =	vor.u32 v0, v1;
	v10 =	vld [tilespmem:s29+$0xDB0];
	[tilespmem:s26+$0xD5D0] =	vst v2  }
0x14b: {  	v2 =	vshll.u32 v9, $0x4;
	v4 =	vld.idx.msk [tilespmem:v4+s19+$0x0], $0xffff  }
0x14c: {  	v2 =	vor.u32 v0, v2;
	v9 =	vld [tilespmem:s30+$0xD90];
	[tilespmem:s28+$0xD5B0] =	vst v7;
	v6 =	vshll.u32 v6, $0x4  }
0x14d: {  	v11 =	vld.idx.msk [tilespmem:v3+s19+$0x0], $0xffff;
	v12 =	vor.u32 v0, v6  }
0x14e: {  	[tilespmem:s29+$0xD590] =	vst v8;
	v3 =	vshll.u32 v5, $0x4;
	v13 =	vld [tilespmem:s28+$0xDE0]  }
0x14f: {  	v14 =	vld.idx.msk [tilespmem:v1+s19+$0x0], $0xffff;
	v15 =	vor.u32 v0, v3  }
0x150: {  	v1 =	vshll.u32 v10, $0x4;
	v3 =	vld [tilespmem:s29+$0xDC0]  }
.Ltmp3:
0x151: {  	v7 =	vor.u32 v0, v1;
	v6 =	vld.idx.msk [tilespmem:v2+s19+$0x0], $0xffff;
	[tilespmem:s26+$0xD5E0] =	vst v4;
	(pc) =	sbr.rel @p0 .LBB2_8-.Ltmp3, $4  }
0x152: {  	v2 =	vshll.u32 v9, $0x4;
	v1 =	vld.idx.msk [tilespmem:v12+s19+$0x0], $0xffff  }
0x153: {  	v8 =	vor.u32 v0, v2;
	v5 =	vld [tilespmem:s30+$0xDA0];
	[tilespmem:s28+$0xD5C0] =	vst v11  }
0x154: {  	s31 =	sshra.s32 s0, $0x2;
	v2 =	vld.idx.msk [tilespmem:v15+s19+$0x0], $0xffff  }
0x155: {  	s0 =	sadd.s32 $0x200, s0;
	v4 =	vshll.u32 v13, $0x4;
	v9 =	vld [tilespmem:s31+$0xD80];
	[tilespmem:s29+$0xD5A0] =	vst v14  }
0x156: {  	_ =	sdelay $0x3  }
0x157: {  	v9 =	vshll.u32 v9, $0x4  }
0x158: {  	v10 =	vld [tilespmem:s31+$0xD90];
	v9 =	vor.u32 v0, v9;
	_ =	sdelay $0x4  }
0x159: {  	v10 =	vshll.u32 v10, $0x4;
	v9 =	vld.idx.msk [tilespmem:v9+s19+$0x0], $0xffff  }
0x15a: {  	v11 =	vld [tilespmem:s31+$0xDA0];
	v10 =	vor.u32 v0, v10  }
0x15b: {  	[tilespmem:s30+$0xD580] =	vst v6  }
0x15c: {  	v6 =	vld.idx.msk [tilespmem:v8+s19+$0x0], $0xffff;
	v5 =	vshll.u32 v5, $0x4  }
0x15d: {  	v8 =	vld [tilespmem:s30+$0xDB0];
	v5 =	vor.u32 v0, v5  }
0x15e: {  	[tilespmem:s31+$0xD580] =	vst v9  }
0x15f: {  	v9 =	vld.idx.msk [tilespmem:v10+s19+$0x0], $0xffff;
	v10 =	vshll.u32 v11, $0x4  }
0x160: {  	v11 =	vld [tilespmem:s31+$0xDB0];
	v10 =	vor.u32 v0, v10  }
0x161: {  	[tilespmem:s30+$0xD590] =	vst v6  }
0x162: {  	v6 =	vshll.u32 v8, $0x4;
	v5 =	vld.idx.msk [tilespmem:v5+s19+$0x0], $0xffff  }
0x163: {  	v8 =	vld [tilespmem:s30+$0xDC0];
	v6 =	vor.u32 v0, v6  }
0x164: {  	v7 =	vld.idx.msk [tilespmem:v7+s19+$0x0], $0xffff;
	[tilespmem:s31+$0xD590] =	vst v9  }
0x165: {  	v9 =	vld.idx.msk [tilespmem:v10+s19+$0x0], $0xffff;
	v10 =	vshll.u32 v11, $0x4  }
0x166: {  	v11 =	vld [tilespmem:s31+$0xDC0];
	v10 =	vor.u32 v0, v10  }
0x167: {  	v3 =	vshll.u32 v3, $0x4;
	v12 =	vld [tilespmem:s28+$0xDF0];
	[tilespmem:s30+$0xD5A0] =	vst v5  }
0x168: {  	v3 =	vor.u32 v0, v3;
	v5 =	vld.idx.msk [tilespmem:v6+s19+$0x0], $0xffff;
	v6 =	vshll.u32 v8, $0x4  }
0x169: {  	v8 =	vld [tilespmem:s30+$0xDD0];
	v6 =	vor.u32 v0, v6  }
0x16a: {  	v13 =	vld [tilespmem:s29+$0xDD0];
	[tilespmem:s31+$0xD5A0] =	vst v9  }
0x16b: {  	v9 =	vld.idx.msk [tilespmem:v10+s19+$0x0], $0xffff;
	v10 =	vshll.u32 v11, $0x4  }
0x16c: {  	[tilespmem:s29+$0xD5B0] =	vst v7;
	v7 =	vor.u32 v0, v10;
	v10 =	vld [tilespmem:s31+$0xDD0]  }
0x16d: {  	v3 =	vld.idx.msk [tilespmem:v3+s19+$0x0], $0xffff;
	[tilespmem:s30+$0xD5B0] =	vst v5  }
0x16e: {  	v5 =	vld.idx.msk [tilespmem:v6+s19+$0x0], $0xffff;
	v6 =	vshll.u32 v8, $0x4  }
0x16f: {  	v60 =	vld [tilespmem:s29+$0xDE0];
	v6 =	vor.u32 v0, v6;
	v11 =	vshll.u32 v13, $0x4  }
0x170: {  	v8 =	vld [tilespmem:s30+$0xDE0];
	v11 =	vor.u32 v0, v11;
	[tilespmem:s31+$0xD5B0] =	vst v9  }
0x171: {  	v7 =	vld.idx.msk [tilespmem:v7+s19+$0x0], $0xffff;
	v9 =	vshll.u32 v10, $0x4  }
0x172: {  	[tilespmem:s29+$0xD5C0] =	vst v3;
	v3 =	vld [tilespmem:s31+$0xDE0];
	v9 =	vor.u32 v0, v9  }
0x173: {  	v61 =	vld [tilespmem:s30+$0xDF0];
	[tilespmem:s30+$0xD5C0] =	vst v5  }
0x174: {  	v6 =	vld.idx.msk [tilespmem:v6+s19+$0x0], $0xffff  }
0x175: {  	v4 =	vor.u32 v0, v4;
	v5 =	vshll.u32 v60, $0x4;
	v10 =	vld.idx.msk [tilespmem:v11+s19+$0x0], $0xffff  }
0x176: {  	v8 =	vshll.u32 v8, $0x4;
	v5 =	vor.u32 v0, v5;
	v11 =	vld [tilespmem:s29+$0xDF0];
	[tilespmem:s31+$0xD5C0] =	vst v7  }
0x177: {  	v3 =	vshll.u32 v3, $0x4;
	v7 =	vor.u32 v0, v8;
	v8 =	vld.idx.msk [tilespmem:v9+s19+$0x0], $0xffff  }
0x178: {  	v3 =	vor.u32 v0, v3;
	v9 =	vld [tilespmem:s31+$0xDF0]  }
0x179: {  	[tilespmem:s28+$0xD5D0] =	vst v2  }
0x17a: {  	v2 =	vld.idx.msk [tilespmem:v4+s19+$0x0], $0xffff;
	v4 =	vshll.u32 v12, $0x4;
	[tilespmem:s29+$0xD5D0] =	vst v10  }
0x17b: {  	v4 =	vor.u32 v0, v4;
	[tilespmem:s30+$0xD5D0] =	vst v6;
	v6 =	vshll.u32 v11, $0x4;
	v5 =	vld.idx.msk [tilespmem:v5+s19+$0x0], $0xffff  }
0x17c: {  	v10 =	vshll.u32 v61, $0x4;
	v6 =	vor.u32 v0, v6;
	v7 =	vld.idx.msk [tilespmem:v7+s19+$0x0], $0xffff;
	[tilespmem:s31+$0xD5D0] =	vst v8  }
0x17d: {  	v8 =	vor.u32 v0, v10;
	v9 =	vshll.u32 v9, $0x4;
	v3 =	vld.idx.msk [tilespmem:v3+s19+$0x0], $0xffff  }
0x17e: {  	v9 =	vor.u32 v0, v9  }
0x17f: {  	[tilespmem:s28+$0xD5E0] =	vst v2  }
0x180: {  	v2 =	vld.idx.msk [tilespmem:v4+s19+$0x0], $0xffff;
	[tilespmem:s29+$0xD5E0] =	vst v5  }
0x181: {  	v4 =	vld.idx.msk [tilespmem:v6+s19+$0x0], $0xffff;
	[tilespmem:s30+$0xD5E0] =	vst v7  }
0x182: {  	v5 =	vld.idx.msk [tilespmem:v8+s19+$0x0], $0xffff;
	[tilespmem:s31+$0xD5E0] =	vst v3  }
0x183: {  	v3 =	vld.idx.msk [tilespmem:v9+s19+$0x0], $0xffff  }
0x184: {  	[tilespmem:s26+$0xD5F0] =	vst v1  }
0x185: {  	[tilespmem:s28+$0xD5F0] =	vst v2  }
0x186: {  	[tilespmem:s29+$0xD5F0] =	vst v4  }
0x187: {  	[tilespmem:s30+$0xD5F0] =	vst v5  }
0x188: {  	[tilespmem:s31+$0xD5F0] =	vst v3  }
0x189: {  	[hbm4b:s10+s13] =	stream.strided.scatter [tilespmem:s20], [sflag:$0x3], $0x6400, s14, s13, $0x38;
	[tilespmem:$0x19D80] =	vst v63  }
0x18a: {  	_ =	swait.ge [sflag:s21], $0x6400  }
0x18b: {  	[sflag:s21] =	ssyncset.done $0x0  }
0x18c: {  	[sflag:s21] =	ssyncadd.s32 $0xFFFF9C00  }
0x18d: {  	_ =	swait.ge [sflag:s24], $0x6400  }
0x18e: {  	[sflag:s24] =	ssyncset.done $0x0  }
0x18f: {  	s26 =	simm.s32 $0x0;
	[sflag:s24] =	ssyncadd.s32 $0xFFFF9C00  }
0x190: {  	v1 =	vld [tilespmem:s26+$0x7180];
	_ =	sdelay $0x4  }
0x191: {  	v1 =	vshll.u32 v1, $0x4  }
0x192: {  	v2 =	vld [tilespmem:s26+$0x7190];
	v1 =	vor.u32 v0, v1;
	_ =	sdelay $0x2  }
0x193: {  	s28 =	simm.s32 $0x80  }
0x194: {  	v4 =	vld [tilespmem:s28+$0x7180]  }
0x195: {  	v2 =	vshll.u32 v2, $0x4;
	v1 =	vld.idx.msk [tilespmem:v1+s19+$0x0], $0xffff  }
0x196: {  	v3 =	vld [tilespmem:s26+$0x71A0];
	v2 =	vor.u32 v0, v2;
	_ =	sdelay $0x2  }
0x197: {  	v4 =	vshll.u32 v4, $0x4  }
0x198: {  	v5 =	vld [tilespmem:s28+$0x7190];
	v4 =	vor.u32 v0, v4;
	[tilespmem:s26+$0x13980] =	vst v1  }
0x199: {  	v1 =	vld.idx.msk [tilespmem:v2+s19+$0x0], $0xffff;
	v2 =	vshll.u32 v3, $0x4  }
0x19a: {  	v3 =	vld [tilespmem:s26+$0x71B0];
	v2 =	vor.u32 v0, v2  }
0x19b: {  	s29 =	simm.s32 $0x100  }
0x19c: {  	v7 =	vld [tilespmem:s29+$0x7180]  }
0x19d: {  	v5 =	vshll.u32 v5, $0x4;
	v4 =	vld.idx.msk [tilespmem:v4+s19+$0x0], $0xffff  }
0x19e: {  	v6 =	vld [tilespmem:s28+$0x71A0];
	v5 =	vor.u32 v0, v5;
	[tilespmem:s26+$0x13990] =	vst v1  }
0x19f: {  	v1 =	vld.idx.msk [tilespmem:v2+s19+$0x0], $0xffff;
	v2 =	vshll.u32 v3, $0x4  }
0x1a0: {  	v3 =	vld [tilespmem:s26+$0x71C0];
	v2 =	vor.u32 v0, v2;
	_ =	sdelay $0x1  }
0x1a1: {  	v8 =	vld [tilespmem:s29+$0x7190];
	v7 =	vshll.u32 v7, $0x4;
	[tilespmem:s28+$0x13980] =	vst v4  }
0x1a2: {  	v7 =	vor.u32 v0, v7;
	v4 =	vld.idx.msk [tilespmem:v5+s19+$0x0], $0xffff;
	v5 =	vshll.u32 v6, $0x4  }
0x1a3: {  	v6 =	vld [tilespmem:s28+$0x71B0];
	v5 =	vor.u32 v0, v5;
	[tilespmem:s26+$0x139A0] =	vst v1  }
0x1a4: {  	v1 =	vld.idx.msk [tilespmem:v2+s19+$0x0], $0xffff;
	v2 =	vshll.u32 v3, $0x4  }
0x1a5: {  	v3 =	vld [tilespmem:s26+$0x71D0];
	v2 =	vor.u32 v0, v2;
	_ =	sdelay $0x1  }
0x1a6: {  	v8 =	vshll.u32 v8, $0x4;
	v7 =	vld.idx.msk [tilespmem:v7+s19+$0x0], $0xffff;
	[tilespmem:s28+$0x13990] =	vst v4  }
0x1a7: {  	v8 =	vor.u32 v0, v8;
	v4 =	vld.idx.msk [tilespmem:v5+s19+$0x0], $0xffff;
	v5 =	vshll.u32 v6, $0x4  }
0x1a8: {  	v6 =	vld [tilespmem:s28+$0x71C0];
	v5 =	vor.u32 v0, v5;
	[tilespmem:s26+$0x139B0] =	vst v1  }
0x1a9: {  	v1 =	vld.idx.msk [tilespmem:v2+s19+$0x0], $0xffff;
	v2 =	vshll.u32 v3, $0x4  }
0x1aa: {  	v3 =	vld [tilespmem:s26+$0x71E0];
	v2 =	vor.u32 v0, v2  }
0x1ab: {  	v9 =	vld [tilespmem:s29+$0x71A0];
	[tilespmem:s29+$0x13980] =	vst v7  }
0x1ac: {  	v7 =	vld.idx.msk [tilespmem:v8+s19+$0x0], $0xffff;
	[tilespmem:s28+$0x139A0] =	vst v4  }
0x1ad: {  	v4 =	vld.idx.msk [tilespmem:v5+s19+$0x0], $0xffff  }
0x1ae: {  	v5 =	vshll.u32 v6, $0x4;
	v6 =	vld [tilespmem:s26+$0x71F0];
	[tilespmem:s26+$0x139C0] =	vst v1  }
0x1af: {  	s30 =	simm.s32 $0x180;
	v3 =	vshll.u32 v3, $0x4;
	v1 =	vld.idx.msk [tilespmem:v2+s19+$0x0], $0xffff  }
0x1b0: {  	v2 =	vld [tilespmem:s30+$0x7180];
	v3 =	vor.u32 v0, v3  }
0x1b1: {  	v8 =	vshll.u32 v9, $0x4;
	v9 =	vld [tilespmem:s28+$0x71D0];
	v5 =	vor.u32 v0, v5;
	_ =	sdelay $0x2  }
0x1b2: {  	v10 =	vld [tilespmem:s29+$0x71B0];
	[tilespmem:s26+$0x139D0] =	vst v1  }
0x1b3: {  	v8 =	vor.u32 v0, v8;
	[tilespmem:s28+$0x139B0] =	vst v4;
	v1 =	vshll.u32 v2, $0x4;
	v2 =	vld.idx.msk [tilespmem:v3+s19+$0x0], $0xffff;
	v3 =	vshll.u32 v6, $0x4  }
0x1b4: {  	v4 =	vld.idx.msk [tilespmem:v5+s19+$0x0], $0xffff;
	v5 =	vor.u32 v0, v3;
	v3 =	vshll.u32 v9, $0x4  }
0x1b5: {  	[tilespmem:s29+$0x13990] =	vst v7;
	v7 =	vor.u32 v0, v3  }
0x1b6: {  	v11 =	vld [tilespmem:s30+$0x7190];
	v1 =	vor.u32 v0, v1  }
0x1b7: {  	v62 =	vld [tilespmem:s28+$0x71E0]  }
0x1b8: {  	v63 =	vld.idx.msk [tilespmem:v8+s19+$0x0], $0xffff  }
0x1b9: {  	[tilespmem:s28+$0x139C0] =	vst v4;
	v4 =	vshll.u32 v10, $0x4;
	v3 =	vld [tilespmem:s29+$0x71C0]  }
0x1ba: {  	[tilespmem:s26+$0x139E0] =	vst v2;
	v2 =	vld.idx.msk [tilespmem:v7+s19+$0x0], $0xffff;
	v7 =	vor.u32 v0, v4  }
0x1bb: {  	v8 =	vshll.u32 v11, $0x4;
	v6 =	vld.idx.msk [tilespmem:v1+s19+$0x0], $0xffff  }
0x1bc: {  	v8 =	vor.u32 v0, v8;
	v1 =	vld.idx.msk [tilespmem:v5+s19+$0x0], $0xffff  }
0x1bd: {  	s31 =	simm.s32 $0x200;
	v5 =	vld [tilespmem:s30+$0x71A0]  }
0x1be: {  	s0 =	simm.s32 $0xA00;
	[tilespmem:s29+$0x139A0] =	vst v63;
	v9 =	vld [tilespmem:s31+$0x7180];
	v4 =	vshll.u32 v62, $0x4  }
.LBB2_10:
0x1bf: {  	p0 =	sne.s32 s0, $0x18E00;
	v7 =	vld.idx.msk [tilespmem:v7+s19+$0x0], $0xffff;
	v4 =	vor.u32 v0, v4  }
0x1c0: {  	v3 =	vshll.u32 v3, $0x4;
	[tilespmem:s30+$0x13980] =	vst v6;
	v6 =	vld [tilespmem:s28+$0x71F0]  }
0x1c1: {  	v3 =	vor.u32 v0, v3;
	v8 =	vld.idx.msk [tilespmem:v8+s19+$0x0], $0xffff;
	[tilespmem:s26+$0x139F0] =	vst v1;
	s26 =	smov.u32 s28;
	s28 =	smov.u32 s29;
	s29 =	smov.u32 s30  }
0x1c2: {  	v1 =	vshll.u32 v5, $0x4;
	s30 =	smov.u32 s31;
	v5 =	vld [tilespmem:s28+$0x71D0]  }
0x1c3: {  	v1 =	vor.u32 v0, v1;
	v10 =	vld [tilespmem:s29+$0x71B0];
	[tilespmem:s26+$0x139D0] =	vst v2  }
0x1c4: {  	v2 =	vshll.u32 v9, $0x4;
	v4 =	vld.idx.msk [tilespmem:v4+s19+$0x0], $0xffff  }
0x1c5: {  	v2 =	vor.u32 v0, v2;
	v9 =	vld [tilespmem:s30+$0x7190];
	[tilespmem:s28+$0x139B0] =	vst v7;
	v6 =	vshll.u32 v6, $0x4  }
0x1c6: {  	v11 =	vld.idx.msk [tilespmem:v3+s19+$0x0], $0xffff;
	v12 =	vor.u32 v0, v6  }
0x1c7: {  	[tilespmem:s29+$0x13990] =	vst v8;
	v3 =	vshll.u32 v5, $0x4;
	v13 =	vld [tilespmem:s28+$0x71E0]  }
0x1c8: {  	v14 =	vld.idx.msk [tilespmem:v1+s19+$0x0], $0xffff;
	v15 =	vor.u32 v0, v3  }
0x1c9: {  	v1 =	vshll.u32 v10, $0x4;
	v3 =	vld [tilespmem:s29+$0x71C0]  }
.Ltmp4:
0x1ca: {  	v7 =	vor.u32 v0, v1;
	v6 =	vld.idx.msk [tilespmem:v2+s19+$0x0], $0xffff;
	[tilespmem:s26+$0x139E0] =	vst v4;
	(pc) =	sbr.rel @p0 .LBB2_10-.Ltmp4, $4  }
0x1cb: {  	v2 =	vshll.u32 v9, $0x4;
	v1 =	vld.idx.msk [tilespmem:v12+s19+$0x0], $0xffff  }
0x1cc: {  	v8 =	vor.u32 v0, v2;
	v5 =	vld [tilespmem:s30+$0x71A0];
	[tilespmem:s28+$0x139C0] =	vst v11  }
0x1cd: {  	s31 =	sshra.s32 s0, $0x2;
	v2 =	vld.idx.msk [tilespmem:v15+s19+$0x0], $0xffff  }
0x1ce: {  	s0 =	sadd.s32 $0x200, s0;
	v4 =	vshll.u32 v13, $0x4;
	v9 =	vld [tilespmem:s31+$0x7180];
	[tilespmem:s29+$0x139A0] =	vst v14  }
0x1cf: {  	_ =	sdelay $0x3  }
0x1d0: {  	v9 =	vshll.u32 v9, $0x4  }
0x1d1: {  	v10 =	vld [tilespmem:s31+$0x7190];
	v9 =	vor.u32 v0, v9;
	_ =	sdelay $0x4  }
0x1d2: {  	v10 =	vshll.u32 v10, $0x4;
	v9 =	vld.idx.msk [tilespmem:v9+s19+$0x0], $0xffff  }
0x1d3: {  	v11 =	vld [tilespmem:s31+$0x71A0];
	v10 =	vor.u32 v0, v10;
	_ =	sdelay $0x2  }
0x1d4: {  	[tilespmem:s30+$0x13980] =	vst v6;
	v34 =	vld [tilespmem:s30+$0x71B0]  }
0x1d5: {  	v6 =	vld.idx.msk [tilespmem:v8+s19+$0x0], $0xffff;
	v5 =	vshll.u32 v5, $0x4;
	[tilespmem:s31+$0x13980] =	vst v9  }
0x1d6: {  	v5 =	vor.u32 v0, v5;
	v35 =	vshll.u32 v11, $0x4;
	v9 =	vld.idx.msk [tilespmem:v10+s19+$0x0], $0xffff  }
0x1d7: {  	v36 =	vld [tilespmem:s31+$0x71B0];
	v10 =	vor.u32 v0, v35;
	_ =	sdelay $0x1  }
0x1d8: {  	v7 =	vld.idx.msk [tilespmem:v7+s19+$0x0], $0xffff  }
0x1d9: {  	v38 =	vld [tilespmem:s30+$0x71C0];
	[tilespmem:s30+$0x13990] =	vst v6  }
0x1da: {  	v37 =	vshll.u32 v34, $0x4;
	v5 =	vld.idx.msk [tilespmem:v5+s19+$0x0], $0xffff;
	[tilespmem:s31+$0x13990] =	vst v9  }
0x1db: {  	v39 =	vshll.u32 v36, $0x4;
	v6 =	vor.u32 v0, v37;
	v9 =	vld.idx.msk [tilespmem:v10+s19+$0x0], $0xffff  }
0x1dc: {  	v40 =	vld [tilespmem:s31+$0x71C0];
	v10 =	vor.u32 v0, v39  }
0x1dd: {  	v3 =	vshll.u32 v3, $0x4;
	v12 =	vld [tilespmem:s28+$0x71F0]  }
0x1de: {  	v13 =	vld [tilespmem:s29+$0x71D0];
	v3 =	vor.u32 v0, v3  }
0x1df: {  	v42 =	vld [tilespmem:s30+$0x71D0];
	[tilespmem:s30+$0x139A0] =	vst v5  }
0x1e0: {  	v41 =	vshll.u32 v38, $0x4;
	v5 =	vld.idx.msk [tilespmem:v6+s19+$0x0], $0xffff;
	[tilespmem:s31+$0x139A0] =	vst v9  }
0x1e1: {  	v43 =	vshll.u32 v40, $0x4;
	v6 =	vor.u32 v0, v41;
	v9 =	vld.idx.msk [tilespmem:v10+s19+$0x0], $0xffff  }
0x1e2: {  	v45 =	vld [tilespmem:s31+$0x71D0];
	[tilespmem:s29+$0x139B0] =	vst v7;
	v44 =	vor.u32 v0, v43  }
0x1e3: {  	v3 =	vld.idx.msk [tilespmem:v3+s19+$0x0], $0xffff  }
0x1e4: {  	v47 =	vld [tilespmem:s29+$0x71E0]  }
0x1e5: {  	v49 =	vld [tilespmem:s30+$0x71E0];
	v46 =	vshll.u32 v13, $0x4;
	[tilespmem:s30+$0x139B0] =	vst v5  }
0x1e6: {  	v48 =	vshll.u32 v42, $0x4;
	v11 =	vor.u32 v0, v46;
	v5 =	vld.idx.msk [tilespmem:v6+s19+$0x0], $0xffff;
	[tilespmem:s31+$0x139B0] =	vst v9  }
0x1e7: {  	v50 =	vshll.u32 v45, $0x4;
	v6 =	vor.u32 v0, v48;
	v7 =	vld.idx.msk [tilespmem:v44+s19+$0x0], $0xffff  }
0x1e8: {  	[tilespmem:s29+$0x139C0] =	vst v3;
	v3 =	vld [tilespmem:s31+$0x71E0];
	v9 =	vor.u32 v0, v50  }
0x1e9: {  	v52 =	vld [tilespmem:s29+$0x71F0]  }
0x1ea: {  	v54 =	vld [tilespmem:s30+$0x71F0]  }
0x1eb: {  	v4 =	vor.u32 v0, v4;
	v53 =	vshll.u32 v47, $0x4;
	v51 =	vld.idx.msk [tilespmem:v11+s19+$0x0], $0xffff;
	[tilespmem:s30+$0x139C0] =	vst v5  }
0x1ec: {  	v8 =	vshll.u32 v49, $0x4;
	v5 =	vor.u32 v0, v53;
	v6 =	vld.idx.msk [tilespmem:v6+s19+$0x0], $0xffff;
	[tilespmem:s31+$0x139C0] =	vst v7  }
0x1ed: {  	v55 =	vor.u32 v0, v8;
	v3 =	vshll.u32 v3, $0x4;
	v56 =	vld.idx.msk [tilespmem:v9+s19+$0x0], $0xffff  }
0x1ee: {  	v57 =	vld [tilespmem:s31+$0x71F0];
	v3 =	vor.u32 v0, v3  }
0x1ef: {  	[tilespmem:s28+$0x139D0] =	vst v2  }
0x1f0: {  	v2 =	vld.idx.msk [tilespmem:v4+s19+$0x0], $0xffff;
	v58 =	vshll.u32 v12, $0x4;
	[tilespmem:s29+$0x139D0] =	vst v51  }
0x1f1: {  	v59 =	vshll.u32 v52, $0x4;
	v4 =	vor.u32 v0, v58;
	v5 =	vld.idx.msk [tilespmem:v5+s19+$0x0], $0xffff;
	[tilespmem:s30+$0x139D0] =	vst v6  }
0x1f2: {  	v60 =	vshll.u32 v54, $0x4;
	v6 =	vor.u32 v0, v59;
	v7 =	vld.idx.msk [tilespmem:v55+s19+$0x0], $0xffff;
	[tilespmem:s31+$0x139D0] =	vst v56  }
0x1f3: {  	v61 =	vor.u32 v0, v60;
	v9 =	vshll.u32 v57, $0x4;
	v3 =	vld.idx.msk [tilespmem:v3+s19+$0x0], $0xffff  }
0x1f4: {  	v9 =	vor.u32 v0, v9  }
0x1f5: {  	[tilespmem:s28+$0x139E0] =	vst v2  }
0x1f6: {  	v2 =	vld.idx.msk [tilespmem:v4+s19+$0x0], $0xffff;
	[tilespmem:s29+$0x139E0] =	vst v5  }
0x1f7: {  	v62 =	vld.idx.msk [tilespmem:v6+s19+$0x0], $0xffff;
	[tilespmem:s30+$0x139E0] =	vst v7  }
0x1f8: {  	v63 =	vld.idx.msk [tilespmem:v61+s19+$0x0], $0xffff;
	[tilespmem:s31+$0x139E0] =	vst v3  }
0x1f9: {  	v3 =	vld.idx.msk [tilespmem:v9+s19+$0x0], $0xffff  }
0x1fa: {  	[tilespmem:s26+$0x139F0] =	vst v1  }
0x1fb: {  	[tilespmem:s28+$0x139F0] =	vst v2  }
0x1fc: {  	[tilespmem:s29+$0x139F0] =	vst v62  }
0x1fd: {  	[tilespmem:s30+$0x139F0] =	vst v63  }
0x1fe: {  	s25 =	sadd.s32 $0x1, s25;
	[tilespmem:s31+$0x139F0] =	vst v3  }
0x1ff: {  	[hbm4b:s11+s13] =	stream.strided.scatter [tilespmem:s22], [sflag:$0x4], $0x6400, s14, s13, $0x38;
	[tilespmem:$0x19D80] =	vst v63  }
0x200: {  	p0 =	sne.s32 s25, s12;
	_ =	swait.ge [sflag:s23], $0x6400  }
.Ltmp5:
0x201: {  	[sflag:s23] =	ssyncset.done $0x0;
	(pc) =	sbr.rel @p0 .LBB2_1-.Ltmp5, $4  }
0x202: {  	[sflag:s23] =	ssyncadd.s32 $0xFFFF9C00  }
0x203: {  	_ =	swait.ge [sflag:s24], $0x6400  }
0x204: {  	[sflag:s24] =	ssyncset.done $0x0  }
0x205: {  	[sflag:s24] =	ssyncadd.s32 $0xFFFF9C00  }
0x206: {  	_ =	sfence.sel $0x180000  }
0x207: {  	[bflag:$0x0] =	sbarrier.arrive $0xFFFF  }
0x208: {  	_ =	strace $0x90000047  }
0x209: {  	[bflag:$0x2] =	sbarrier.arrive $0xFFFF  }
0x20a: {  	p0 =	sne.s32 s2, $0x0;
	s0 =	rddreg [dreg:$0x3]  }
0x20b: {  	s0 =	sadd.s32 @!p0 $0x100000, s0  }
0x20c: {  	[sflag:s0] =	ssyncadd.tile.s32 @!p0 $0x1;
	_ =	shalt  }
.Lfunc_end2:
_tile_overlayer_lowered:
.L_overlay_start_2:
0x20d: {  	(tag) =	ssettag $0x2  }
0x20e: {  	s0 =	rddreg [dreg:$0x0];
	s2 =	stileid.u32  }
0x20f: {  	s1 =	rddreg [dreg:$0x1];
	p0 =	sne.s32 s2, $0x0  }
0x210: {  	s3 =	rddreg [dreg:$0x2];
	[bflag:$0x3] =	sbarrier.arrive $0xFFFF;
	s2 =	simm.s32 @!p0 $0x1C05  }
0x211: {  	[timem:s3], [sflag:s2] =	dma.local @!p0 [hbm:s0], s1  }
0x212: {  	s0 =	simm.s32 @!p0 $0x5  }
0x213: {  	_ =	swait.ge @!p0 [sflag:s0], s1  }
0x214: {  	s1 =	ssub.s32 @!p0 $0x0, s1;
	[sflag:s0] =	ssyncset.done @!p0 $0x0  }
0x215: {  	[sflag:s0] =	ssyncadd.s32 @!p0 s1  }
0x216: {  	[bflag:$0x3] =	sbarrier.arrive $0xFFFF  }
0x217: {  	_ =	shalt  }

</sc_bundles>
